<compile_context>
chip_gen: v7x
topology: tpu7x:2x2x1
jax: 0.10.2.dev20260603
libtpu: 0.0.44.dev20260713+nightly
codegen_flags: <defaults>
</compile_context>

<pallas_src>
import functools
import math

import jax
import jax.numpy as jnp
from jax import lax
from jax.experimental import pallas as pl
from jax.experimental.pallas import tpu as pltpu
from jax.experimental.pallas import tpu_sc as plsc

N = 10000
F = 128
H = 128
G = 64
NSP = 10240
CHUNK = 128
NW = 32
ROWS_PER_SUB = NSP // 16
BN_SCALE = 1.0 / math.sqrt(1.0 + 1e-5)
R = 2000


def _make_sc_agg(per_worker: int, with_count: bool):
  mesh = plsc.VectorSubcoreMesh(core_axis_name="c", subcore_axis_name="s")
  out_type = [jax.ShapeDtypeStruct((2 * NSP, H), jnp.float32)]
  scratch = [
      pltpu.VMEM((CHUNK,), jnp.int32),
      pltpu.VMEM((CHUNK,), jnp.int32),
      pltpu.VMEM((CHUNK, H), jnp.float32),
      pltpu.VMEM_SHARED((NSP, H), jnp.float32),
      pltpu.SemaphoreType.DMA,
  ]
  if with_count:
    out_type.append(jax.ShapeDtypeStruct((2 * NSP,), jnp.float32))
    scratch += [
        pltpu.VMEM((CHUNK,), jnp.float32),
        pltpu.VMEM_SHARED((NSP,), jnp.float32),
    ]

  def body(h_hbm, src_hbm, dst_hbm, zr2_hbm, zr1_hbm, *rest):
    if with_count:
      agg_out, cnt_out, sidx, didx, rows, agg_sh, sem, ones, cnt_sh = rest
    else:
      agg_out, sidx, didx, rows, agg_sh, sem = rest
    c = lax.axis_index("c")
    s = lax.axis_index("s")
    wid = s * 2 + c
    r0 = s * ROWS_PER_SUB
    pltpu.sync_copy(zr2_hbm.at[pl.ds(r0, ROWS_PER_SUB)],
                    agg_sh.at[pl.ds(r0, ROWS_PER_SUB)])
    if with_count:
      pltpu.sync_copy(zr1_hbm.at[pl.ds(r0, ROWS_PER_SUB)],
                      cnt_sh.at[pl.ds(r0, ROWS_PER_SUB)])
      for j in range(CHUNK // 16):
        ones[pl.ds(j * 16, 16)] = jnp.ones((16,), jnp.float32)
    plsc.subcore_barrier()

    def step(i, carry):
      base = (wid * per_worker + i) * CHUNK
      pltpu.sync_copy(src_hbm.at[pl.ds(base, CHUNK)], sidx)
      pltpu.sync_copy(dst_hbm.at[pl.ds(base, CHUNK)], didx)
      pltpu.async_copy(h_hbm.at[sidx], rows, sem).wait()
      pltpu.sync_copy(rows, agg_sh.at[didx], add=True)
      if with_count:
        pltpu.sync_copy(ones, cnt_sh.at[didx], add=True)
      return carry

    lax.fori_loop(0, per_worker, step, 0)
    plsc.subcore_barrier()
    out_base = c * NSP + r0
    pltpu.sync_copy(agg_sh.at[pl.ds(r0, ROWS_PER_SUB)],
                    agg_out.at[pl.ds(out_base, ROWS_PER_SUB)])
    if with_count:
      pltpu.sync_copy(cnt_sh.at[pl.ds(r0, ROWS_PER_SUB)],
                      cnt_out.at[pl.ds(out_base, ROWS_PER_SUB)])

  return pl.kernel(body, out_type=out_type, mesh=mesh, scratch_types=scratch)


def _tc_layer_body(agg0, agg1, cnt0, cnt1, h, wl, wr, bl, g, be, out):
  cnt = cnt0[...] + cnt1[...]
  denom = jnp.maximum(cnt, 1.0)
  agg = (agg0[...] + agg1[...]) / denom
  o = jnp.dot(agg, wl[...], preferred_element_type=jnp.float32)
  o = o + jnp.dot(h[...], wr[...], preferred_element_type=jnp.float32)
  o = o + bl[...]
  o = g[...] * (o * BN_SCALE) + be[...]
  out[...] = jnp.maximum(o, 0.0)


_tc_layer = pl.pallas_call(
    _tc_layer_body,
    grid=(N // R,),
    in_specs=[
        pl.BlockSpec((R, H), lambda i: (i, 0)),
        pl.BlockSpec((R, H), lambda i: (i, 0)),
        pl.BlockSpec((R, 1), lambda i: (i, 0)),
        pl.BlockSpec((R, 1), lambda i: (i, 0)),
        pl.BlockSpec((R, H), lambda i: (i, 0)),
        pl.BlockSpec((H, H), lambda i: (0, 0)),
        pl.BlockSpec((H, H), lambda i: (0, 0)),
        pl.BlockSpec((1, H), lambda i: (0, 0)),
        pl.BlockSpec((1, H), lambda i: (0, 0)),
        pl.BlockSpec((1, H), lambda i: (0, 0)),
    ],
    out_specs=pl.BlockSpec((R, H), lambda i: (i, 0)),
    out_shape=jax.ShapeDtypeStruct((N, H), jnp.float32),
)


def _head_body(h0, h1, h2, x1, batchf, oa17,
               w1a, w1b, w1c, b1, w2, b2, w3, b3,
               rw1a, rw1b, rw1c0, rw1c1, rw1c2, rb1, rw2, rb2,
               node_out, reg_out,
               pool0, pool1, pool2, cls_acc, cnt_acc):
  i = pl.program_id(0)
  nb = pl.num_programs(0)
  a0, a1, a2 = h0[...], h1[...], h2[...]
  t = jnp.dot(a0, w1a[...], preferred_element_type=jnp.float32)
  t = t + jnp.dot(a1, w1b[...], preferred_element_type=jnp.float32)
  t = t + jnp.dot(a2, w1c[...], preferred_element_type=jnp.float32)
  t = jnp.maximum(t + b1[...], 0.0)
  t = jnp.maximum(jnp.dot(t, w2[...], preferred_element_type=jnp.float32)
                  + b2[...], 0.0)
  no = jnp.dot(t, w3[...], preferred_element_type=jnp.float32) + b3[...]
  node_out[...] = no
  nd = no * x1[...]

  bb = batchf[...]
  iota = lax.broadcasted_iota(jnp.int32, (R, G), 1)
  P = (bb == iota).astype(jnp.float32)

  @pl.when(i == 0)
  def _():
    pool0[...] = jnp.zeros_like(pool0)
    pool1[...] = jnp.zeros_like(pool1)
    pool2[...] = jnp.zeros_like(pool2)
    cls_acc[...] = jnp.zeros_like(cls_acc)
    cnt_acc[...] = jnp.zeros_like(cnt_acc)

  dn = (((0,), (0,)), ((), ()))
  pool0[...] += lax.dot_general(P, a0, dn, preferred_element_type=jnp.float32)
  pool1[...] += lax.dot_general(P, a1, dn, preferred_element_type=jnp.float32)
  pool2[...] += lax.dot_general(P, a2, dn, preferred_element_type=jnp.float32)
  cls_acc[...] += lax.dot_general(P, nd, dn, preferred_element_type=jnp.float32)
  cnt_acc[...] += jnp.sum(P, axis=0)[:, None]

  @pl.when(i == nb - 1)
  def _():
    gden = jnp.maximum(cnt_acc[...], 1.0)
    inv = 1.0 / gden
    x_class = cls_acc[...] * inv
    r = jnp.dot(oa17[...], rw1a[...], preferred_element_type=jnp.float32)
    r = r + jnp.dot(x_class, rw1b[...], preferred_element_type=jnp.float32)
    r = r + jnp.dot(pool0[...] * inv, rw1c0[...],
                    preferred_element_type=jnp.float32)
    r = r + jnp.dot(pool1[...] * inv, rw1c1[...],
                    preferred_element_type=jnp.float32)
    r = r + jnp.dot(pool2[...] * inv, rw1c2[...],
                    preferred_element_type=jnp.float32)
    r = jnp.maximum(r + rb1[...], 0.0)
    reg_out[...] = (jnp.dot(r, rw2[...], preferred_element_type=jnp.float32)
                    + rb2[...])


def _full(shape):
  return pl.BlockSpec(shape, lambda i: tuple(0 for _ in shape))


_head = pl.pallas_call(
    _head_body,
    grid=(N // R,),
    in_specs=[
        pl.BlockSpec((R, H), lambda i: (i, 0)),
        pl.BlockSpec((R, H), lambda i: (i, 0)),
        pl.BlockSpec((R, H), lambda i: (i, 0)),
        pl.BlockSpec((R, 1), lambda i: (i, 0)),
        pl.BlockSpec((R, 1), lambda i: (i, 0)),
        _full((G, 17)),
        _full((H, 2 * H)), _full((H, 2 * H)), _full((H, 2 * H)),
        _full((1, 2 * H)),
        _full((2 * H, H // 2)), _full((1, H // 2)),
        _full((H // 2, 1)), _full((1, 1)),
        _full((17, 32)), _full((1, 32)),
        _full((H, 32)), _full((H, 32)), _full((H, 32)),
        _full((1, 32)),
        _full((32, 1)), _full((1, 1)),
    ],
    out_specs=[
        pl.BlockSpec((R, 1), lambda i: (i, 0)),
        pl.BlockSpec((G, 1), lambda i: (0, 0)),
    ],
    out_shape=[
        jax.ShapeDtypeStruct((N, 1), jnp.float32),
        jax.ShapeDtypeStruct((G, 1), jnp.float32),
    ],
    scratch_shapes=[
        pltpu.VMEM((G, H), jnp.float32),
        pltpu.VMEM((G, H), jnp.float32),
        pltpu.VMEM((G, H), jnp.float32),
        pltpu.VMEM((G, 1), jnp.float32),
        pltpu.VMEM((G, 1), jnp.float32),
    ],
)


def kernel(x, edge_index, batch, other_attrs,
           Wl0, bl0, Wr0, g0, be0,
           Wl1, bl1, Wr1, g1, be1,
           Wl2, bl2, Wr2, g2, be2,
           W1, b1, W2, b2, W3, b3, Rw1, Rb1, Rw2, Rb2):
  E = edge_index.shape[1]
  ops = -(-E // CHUNK)
  ops = -(-ops // NW) * NW
  e_pad = ops * CHUNK
  per_worker = ops // NW

  src = edge_index[0].astype(jnp.int32)
  dst = edge_index[1].astype(jnp.int32)
  pad = e_pad - E
  if pad:
    src = jnp.concatenate([src, jnp.zeros((pad,), jnp.int32)])
    dst = jnp.concatenate([dst, jnp.full((pad,), NSP - 1, jnp.int32)])
  zr2 = jnp.zeros((NSP, H), jnp.float32)
  zr1 = jnp.zeros((NSP,), jnp.float32)

  sc_agg_cnt = _make_sc_agg(per_worker, with_count=True)
  sc_agg = _make_sc_agg(per_worker, with_count=False)

  agg_p, cnt_p = sc_agg_cnt(x, src, dst, zr2, zr1)
  cnt0 = cnt_p[:N, None]
  cnt1 = cnt_p[NSP:NSP + N, None]

  def layer(h, aggp, Wl, bl, Wr, g, be):
    return _tc_layer(aggp[:N], aggp[NSP:NSP + N], cnt0, cnt1, h,
                     Wl, Wr, bl[None], g[None], be[None])

  h0 = layer(x, agg_p, Wl0, bl0, Wr0, g0, be0)
  agg_p1, = sc_agg(h0, src, dst, zr2, zr1)
  h1 = layer(h0, agg_p1, Wl1, bl1, Wr1, g1, be1)
  agg_p2, = sc_agg(h1, src, dst, zr2, zr1)
  h2 = layer(h1, agg_p2, Wl2, bl2, Wr2, g2, be2)

  node_output, reg_output = _head(
      h0, h1, h2, x[:, 0:1], batch.astype(jnp.int32)[:, None],
      other_attrs[:, :17],
      W1[:H], W1[H:2 * H], W1[2 * H:], b1[None],
      W2, b2[None], W3, b3[None],
      Rw1[:17], Rw1[17:18], Rw1[18:18 + H], Rw1[18 + H:18 + 2 * H],
      Rw1[18 + 2 * H:], Rb1[None], Rw2, Rb2[None])

  last_attr = other_attrs[:, -1:]
  return (node_output, reg_output, last_attr)

# --- scband reference (transcript-rebuilt; emitter-appended) ---
"""Pipeline reference for scband-sage-jk-20504173871206 (READ-ONLY COPY).

The authoritative reference and input builder live on the scoring server;
editing this copy changes nothing except your own understanding.
"""

import jax, jax.numpy as jnp
import numpy as np

N = 10000
E = 320000
F = 128
H = 128
G = 64
L = 3

def setup_inputs(seed: int = 0):
    key = jax.random.key(seed)
    k = lambda i: jax.random.fold_in(key, i)
    inp = {}
    inp["x"] = jax.random.normal(k(0), (N, F), dtype=jnp.float32)
    inp["edge_index"] = jax.random.randint(k(1), (2, E), 0, N)
    inp["batch"] = jnp.sort(jax.random.randint(k(2), (N,), 0, G))
    inp["other_attrs"] = jax.random.normal(k(3), (G, 18), dtype=jnp.float32)
    idx = 10
    for i in range(L):
        cin = F if i == 0 else H
        s = 1.0 / np.sqrt(cin)
        inp["Wl%d" % i] = jax.random.normal(k(idx), (cin, H), dtype=jnp.float32) * s; idx += 1
        inp["bl%d" % i] = jnp.zeros((H,), dtype=jnp.float32)
        inp["Wr%d" % i] = jax.random.normal(k(idx), (cin, H), dtype=jnp.float32) * s; idx += 1
        inp["g%d" % i] = jnp.ones((H,), dtype=jnp.float32)
        inp["be%d" % i] = jnp.zeros((H,), dtype=jnp.float32)
    cat = H * L
    inp["W1"] = jax.random.normal(k(20), (cat, 2 * H), dtype=jnp.float32) / np.sqrt(cat)
    inp["b1"] = jnp.zeros((2 * H,), dtype=jnp.float32)
    inp["W2"] = jax.random.normal(k(21), (2 * H, H // 2), dtype=jnp.float32) / np.sqrt(2 * H)
    inp["b2"] = jnp.zeros((H // 2,), dtype=jnp.float32)
    inp["W3"] = jax.random.normal(k(22), (H // 2, 1), dtype=jnp.float32) / np.sqrt(H // 2)
    inp["b3"] = jnp.zeros((1,), dtype=jnp.float32)
    rin = 17 + cat + 1
    inp["Rw1"] = jax.random.normal(k(23), (rin, 32), dtype=jnp.float32) / np.sqrt(rin)
    inp["Rb1"] = jnp.zeros((32,), dtype=jnp.float32)
    inp["Rw2"] = jax.random.normal(k(24), (32, 1), dtype=jnp.float32) / np.sqrt(32)
    inp["Rb2"] = jnp.zeros((1,), dtype=jnp.float32)
    return inp

def reference(x, edge_index, batch, other_attrs, Wl0, bl0, Wr0, g0, be0, Wl1, bl1, Wr1, g1, be1, Wl2, bl2, Wr2, g2, be2, W1, b1, W2, b2, W3, b3, Rw1, Rb1, Rw2, Rb2):
    src = edge_index[0]
    dst = edge_index[1]
    eps = 1e-5
    bn_scale = 1.0 / jnp.sqrt(1.0 + eps)
    cnt = jax.ops.segment_sum(jnp.ones((src.shape[0],), jnp.float32), dst, num_segments=N)
    denom = jnp.clip(cnt, 1.0)[:, None]
    h = x
    feats = []
    for Wl, bl, Wr, g, be in [(Wl0, bl0, Wr0, g0, be0), (Wl1, bl1, Wr1, g1, be1), (Wl2, bl2, Wr2, g2, be2)]:
        agg = jax.ops.segment_sum(h[src], dst, num_segments=N) / denom
        h = agg @ Wl + bl + h @ Wr
        h = g * (h * bn_scale) + be
        h = jax.nn.relu(h)
        feats.append(h)
    jk = jnp.concatenate(feats, axis=1)
    t = jax.nn.relu(jk @ W1 + b1)
    t = jax.nn.relu(t @ W2 + b2)
    node_output = t @ W3 + b3
    node_delay = node_output * x[:, 0:1]
    gcnt = jax.ops.segment_sum(jnp.ones((x.shape[0],), jnp.float32), batch, num_segments=G)
    gden = jnp.clip(gcnt, 1.0)[:, None]
    x_class = jax.ops.segment_sum(node_delay, batch, num_segments=G) / gden
    x_pool = jax.ops.segment_sum(jk, batch, num_segments=G) / gden
    reg_input = jnp.concatenate([other_attrs[:, :17], x_class, x_pool], axis=1)
    reg_output = jax.nn.relu(reg_input @ Rw1 + Rb1) @ Rw2 + Rb2
    last_attr = other_attrs[:, -1:]
    return (node_output, reg_output, last_attr)

if __name__ == "__main__":
    import jax
    _d = setup_inputs()
    print(jax.jit(kernel)(*tuple(_d.values())))

</pallas_src>

<mosaic_0001>
#map = affine_map<(d0, d1) -> (0, 0)>
#map1 = affine_map<(d0, d1) -> (0)>
module attributes {stable_mosaic.version = 14 : i64} {
  func.func @body(%arg0: i32, %arg1: i32, %arg2: memref<10000x128xf32, #tpu.memory_space<hbm>>, %arg3: memref<323584xi32, #tpu.memory_space<hbm>>, %arg4: memref<323584xi32, #tpu.memory_space<hbm>>, %arg5: memref<10240x128xf32, #tpu.memory_space<hbm>>, %arg6: memref<10240xf32, #tpu.memory_space<hbm>>, %arg7: memref<20480x128xf32, #tpu.memory_space<hbm>>, %arg8: memref<20480xf32, #tpu.memory_space<hbm>>, %arg9: memref<128xi32, #tpu.memory_space<vmem>>, %arg10: memref<128xi32, #tpu.memory_space<vmem>>, %arg11: memref<128x128xf32, #tpu.memory_space<vmem>>, %arg12: memref<10240x128xf32, #tpu.memory_space<vmem_shared>>, %arg13: memref<!tpu.dma_semaphore, #tpu.memory_space<semaphore_mem>>, %arg14: memref<128xf32, #tpu.memory_space<vmem>>, %arg15: memref<10240xf32, #tpu.memory_space<vmem_shared>>) attributes {dimension_semantics = [#tpu.dimension_semantics<core_parallel>, #tpu.dimension_semantics<subcore_parallel>], iteration_bounds = array<i64: 2, 16>, scalar_prefetch = 0 : i64, scratch_operands = 7 : i64, tpu.core_type = #tpu.core_type<sc_vector_subcore>, window_params = [{transform_indices = #map}, {transform_indices = #map1}, {transform_indices = #map1}, {transform_indices = #map}, {transform_indices = #map1}, {transform_indices = #map}, {transform_indices = #map1}]} {
    %mul3A = arith.constant 2 : i32
    %mul3A_0 = arith.muli %arg1, %mul3A : i32
    %add3A = arith.addi %mul3A_0, %arg0 : i32
    %mul3A_1 = arith.constant 640 : i32
    %mul3A_2 = arith.muli %arg1, %mul3A_1 : i32
    "tpu.region"() ({
      %run_scoped3A = tpu.sem_alloc : memref<!tpu.dma_semaphore, #tpu.memory_space<semaphore_mem>>
      %dma_start3A = arith.constant 0 : i32
      %dma_start3A_58 = tpu.memref_slice %arg12[%mul3A_2, %dma_start3A] : memref<10240x128xf32, #tpu.memory_space<vmem_shared>> -> memref<640x128xf32, #tpu.memory_space<vmem_shared>>
      %dma_start3A_59 = arith.constant 0 : i32
      %dma_start3A_60 = tpu.memref_slice %arg5[%mul3A_2, %dma_start3A_59] : memref<10240x128xf32, #tpu.memory_space<hbm>> -> memref<640x128xf32, #tpu.memory_space<hbm>>
      tpu.enqueue_dma source(%dma_start3A_60 : memref<640x128xf32, #tpu.memory_space<hbm>>) target(%dma_start3A_58 : memref<640x128xf32, #tpu.memory_space<vmem_shared>>) target_semaphore(%run_scoped3A : memref<!tpu.dma_semaphore, #tpu.memory_space<semaphore_mem>>)
      %dma_wait3A = arith.constant 0 : i32
      %dma_wait3A_61 = tpu.memref_slice %arg12[%mul3A_2, %dma_wait3A] : memref<10240x128xf32, #tpu.memory_space<vmem_shared>> -> memref<640x128xf32, #tpu.memory_space<vmem_shared>>
      %dma_wait3A_62 = arith.constant 0 : i32
      %dma_wait3A_63 = tpu.memref_slice %arg5[%mul3A_2, %dma_wait3A_62] : memref<10240x128xf32, #tpu.memory_space<hbm>> -> memref<640x128xf32, #tpu.memory_space<hbm>>
      tpu.wait_dma2 semaphore(%run_scoped3A : memref<!tpu.dma_semaphore, #tpu.memory_space<semaphore_mem>>) src(%dma_wait3A_63 : memref<640x128xf32, #tpu.memory_space<hbm>>) dst(%dma_wait3A_61 : memref<640x128xf32, #tpu.memory_space<vmem_shared>>)
      tpu.yield
    }) : () -> ()
    "tpu.region"() ({
      %run_scoped3A = tpu.sem_alloc : memref<!tpu.dma_semaphore, #tpu.memory_space<semaphore_mem>>
      %dma_start3A = tpu.memref_slice %arg15[%mul3A_2] : memref<10240xf32, #tpu.memory_space<vmem_shared>> -> memref<640xf32, #tpu.memory_space<vmem_shared>>
      %dma_start3A_58 = tpu.memref_slice %arg6[%mul3A_2] : memref<10240xf32, #tpu.memory_space<hbm>> -> memref<640xf32, #tpu.memory_space<hbm>>
      tpu.enqueue_dma source(%dma_start3A_58 : memref<640xf32, #tpu.memory_space<hbm>>) target(%dma_start3A : memref<640xf32, #tpu.memory_space<vmem_shared>>) target_semaphore(%run_scoped3A : memref<!tpu.dma_semaphore, #tpu.memory_space<semaphore_mem>>)
      %dma_wait3A = tpu.memref_slice %arg15[%mul3A_2] : memref<10240xf32, #tpu.memory_space<vmem_shared>> -> memref<640xf32, #tpu.memory_space<vmem_shared>>
      %dma_wait3A_59 = tpu.memref_slice %arg6[%mul3A_2] : memref<10240xf32, #tpu.memory_space<hbm>> -> memref<640xf32, #tpu.memory_space<hbm>>
      tpu.wait_dma2 semaphore(%run_scoped3A : memref<!tpu.dma_semaphore, #tpu.memory_space<semaphore_mem>>) src(%dma_wait3A_59 : memref<640xf32, #tpu.memory_space<hbm>>) dst(%dma_wait3A : memref<640xf32, #tpu.memory_space<vmem_shared>>)
      tpu.yield
    }) : () -> ()
    %broadcast_in_dim3A = arith.constant 1.000000e+00 : f32
    %broadcast_in_dim3A_3 = vector.broadcast %broadcast_in_dim3A : f32 to vector<16xf32>
    %swap3A = arith.constant 0 : index
    %swap3A_4 = tpu.vector_load %arg14[%swap3A] {strides = array<i32>} : memref<128xf32, #tpu.memory_space<vmem>>, vector<16xf32>,
    %swap3A_5 = vector.shape_cast %swap3A_4 : vector<16xf32> to vector<16xf32>
    %swap3A_6 = vector.shape_cast %broadcast_in_dim3A_3 : vector<16xf32> to vector<16xf32>
    tpu.vector_store %arg14[%swap3A], %swap3A_6 {strides = array<i32>} : memref<128xf32, #tpu.memory_space<vmem>>, vector<16xf32>,
    %broadcast_in_dim3A_7 = arith.constant 1.000000e+00 : f32
    %broadcast_in_dim3A_8 = vector.broadcast %broadcast_in_dim3A_7 : f32 to vector<16xf32>
    %swap3A_9 = arith.constant 16 : index
    %swap3A_10 = tpu.vector_load %arg14[%swap3A_9] {strides = array<i32>} : memref<128xf32, #tpu.memory_space<vmem>>, vector<16xf32>,
    %swap3A_11 = vector.shape_cast %swap3A_10 : vector<16xf32> to vector<16xf32>
    %swap3A_12 = vector.shape_cast %broadcast_in_dim3A_8 : vector<16xf32> to vector<16xf32>
    tpu.vector_store %arg14[%swap3A_9], %swap3A_12 {strides = array<i32>} : memref<128xf32, #tpu.memory_space<vmem>>, vector<16xf32>,
    %broadcast_in_dim3A_13 = arith.constant 1.000000e+00 : f32
    %broadcast_in_dim3A_14 = vector.broadcast %broadcast_in_dim3A_13 : f32 to vector<16xf32>
    %swap3A_15 = arith.constant 32 : index
    %swap3A_16 = tpu.vector_load %arg14[%swap3A_15] {strides = array<i32>} : memref<128xf32, #tpu.memory_space<vmem>>, vector<16xf32>,
    %swap3A_17 = vector.shape_cast %swap3A_16 : vector<16xf32> to vector<16xf32>
    %swap3A_18 = vector.shape_cast %broadcast_in_dim3A_14 : vector<16xf32> to vector<16xf32>
    tpu.vector_store %arg14[%swap3A_15], %swap3A_18 {strides = array<i32>} : memref<128xf32, #tpu.memory_space<vmem>>, vector<16xf32>,
    %broadcast_in_dim3A_19 = arith.constant 1.000000e+00 : f32
    %broadcast_in_dim3A_20 = vector.broadcast %broadcast_in_dim3A_19 : f32 to vector<16xf32>
    %swap3A_21 = arith.constant 48 : index
    %swap3A_22 = tpu.vector_load %arg14[%swap3A_21] {strides = array<i32>} : memref<128xf32, #tpu.memory_space<vmem>>, vector<16xf32>,
    %swap3A_23 = vector.shape_cast %swap3A_22 : vector<16xf32> to vector<16xf32>
    %swap3A_24 = vector.shape_cast %broadcast_in_dim3A_20 : vector<16xf32> to vector<16xf32>
    tpu.vector_store %arg14[%swap3A_21], %swap3A_24 {strides = array<i32>} : memref<128xf32, #tpu.memory_space<vmem>>, vector<16xf32>,
    %broadcast_in_dim3A_25 = arith.constant 1.000000e+00 : f32
    %broadcast_in_dim3A_26 = vector.broadcast %broadcast_in_dim3A_25 : f32 to vector<16xf32>
    %swap3A_27 = arith.constant 64 : index
    %swap3A_28 = tpu.vector_load %arg14[%swap3A_27] {strides = array<i32>} : memref<128xf32, #tpu.memory_space<vmem>>, vector<16xf32>,
    %swap3A_29 = vector.shape_cast %swap3A_28 : vector<16xf32> to vector<16xf32>
    %swap3A_30 = vector.shape_cast %broadcast_in_dim3A_26 : vector<16xf32> to vector<16xf32>
    tpu.vector_store %arg14[%swap3A_27], %swap3A_30 {strides = array<i32>} : memref<128xf32, #tpu.memory_space<vmem>>, vector<16xf32>,
    %broadcast_in_dim3A_31 = arith.constant 1.000000e+00 : f32
    %broadcast_in_dim3A_32 = vector.broadcast %broadcast_in_dim3A_31 : f32 to vector<16xf32>
    %swap3A_33 = arith.constant 80 : index
    %swap3A_34 = tpu.vector_load %arg14[%swap3A_33] {strides = array<i32>} : memref<128xf32, #tpu.memory_space<vmem>>, vector<16xf32>,
    %swap3A_35 = vector.shape_cast %swap3A_34 : vector<16xf32> to vector<16xf32>
    %swap3A_36 = vector.shape_cast %broadcast_in_dim3A_32 : vector<16xf32> to vector<16xf32>
    tpu.vector_store %arg14[%swap3A_33], %swap3A_36 {strides = array<i32>} : memref<128xf32, #tpu.memory_space<vmem>>, vector<16xf32>,
    %broadcast_in_dim3A_37 = arith.constant 1.000000e+00 : f32
    %broadcast_in_dim3A_38 = vector.broadcast %broadcast_in_dim3A_37 : f32 to vector<16xf32>
    %swap3A_39 = arith.constant 96 : index
    %swap3A_40 = tpu.vector_load %arg14[%swap3A_39] {strides = array<i32>} : memref<128xf32, #tpu.memory_space<vmem>>, vector<16xf32>,
    %swap3A_41 = vector.shape_cast %swap3A_40 : vector<16xf32> to vector<16xf32>
    %swap3A_42 = vector.shape_cast %broadcast_in_dim3A_38 : vector<16xf32> to vector<16xf32>
    tpu.vector_store %arg14[%swap3A_39], %swap3A_42 {strides = array<i32>} : memref<128xf32, #tpu.memory_space<vmem>>, vector<16xf32>,
    %broadcast_in_dim3A_43 = arith.constant 1.000000e+00 : f32
    %broadcast_in_dim3A_44 = vector.broadcast %broadcast_in_dim3A_43 : f32 to vector<16xf32>
    %swap3A_45 = arith.constant 112 : index
    %swap3A_46 = tpu.vector_load %arg14[%swap3A_45] {strides = array<i32>} : memref<128xf32, #tpu.memory_space<vmem>>, vector<16xf32>,
    %swap3A_47 = vector.shape_cast %swap3A_46 : vector<16xf32> to vector<16xf32>
    %swap3A_48 = vector.shape_cast %broadcast_in_dim3A_44 : vector<16xf32> to vector<16xf32>
    tpu.vector_store %arg14[%swap3A_45], %swap3A_48 {strides = array<i32>} : memref<128xf32, #tpu.memory_space<vmem>>, vector<16xf32>,
    %barrier3A = arith.constant 0 : index
    tpu.barrier barrier_id(%barrier3A)
    %scan3A = arith.constant 0 : i32
    %scan3A_49 = arith.constant 0 : i32
    %scan3A_50 = arith.constant 79 : i32
    %scan3A_51 = arith.addi %scan3A_49, %scan3A_50 : i32
    %scan3A_52 = arith.constant 1 : i32
    scf.for %scan3A_58 = %scan3A_49 to %scan3A_51 step %scan3A_52  : i32 {
      %mul3A_59 = arith.constant 79 : i32
      %mul3A_60 = arith.muli %add3A, %mul3A_59 : i32
      %add3A_61 = arith.addi %mul3A_60, %scan3A_58 : i32
      %mul3A_62 = arith.constant 128 : i32
      %mul3A_63 = arith.muli %add3A_61, %mul3A_62 : i32
      "tpu.region"() ({
        %run_scoped3A = tpu.sem_alloc : memref<!tpu.dma_semaphore, #tpu.memory_space<semaphore_mem>>
        %dma_start3A_68 = tpu.memref_slice %arg3[%mul3A_63] : memref<323584xi32, #tpu.memory_space<hbm>> -> memref<128xi32, #tpu.memory_space<hbm>>
        %dma_start3A_69 = tpu.memref_slice %arg3[%mul3A_63] : memref<323584xi32, #tpu.memory_space<hbm>> -> memref<128xi32, #tpu.memory_space<hbm>>
        tpu.enqueue_dma source(%dma_start3A_69 : memref<128xi32, #tpu.memory_space<hbm>>) target(%arg9 : memref<128xi32, #tpu.memory_space<vmem>>) target_semaphore(%run_scoped3A : memref<!tpu.dma_semaphore, #tpu.memory_space<semaphore_mem>>)
        %dma_wait3A_70 = tpu.memref_slice %arg3[%mul3A_63] : memref<323584xi32, #tpu.memory_space<hbm>> -> memref<128xi32, #tpu.memory_space<hbm>>
        %dma_wait3A_71 = tpu.memref_slice %arg3[%mul3A_63] : memref<323584xi32, #tpu.memory_space<hbm>> -> memref<128xi32, #tpu.memory_space<hbm>>
        tpu.wait_dma2 semaphore(%run_scoped3A : memref<!tpu.dma_semaphore, #tpu.memory_space<semaphore_mem>>) src(%dma_wait3A_71 : memref<128xi32, #tpu.memory_space<hbm>>) dst(%arg9 : memref<128xi32, #tpu.memory_space<vmem>>)
        tpu.yield
      }) : () -> ()
      "tpu.region"() ({
        %run_scoped3A = tpu.sem_alloc : memref<!tpu.dma_semaphore, #tpu.memory_space<semaphore_mem>>
        %dma_start3A_68 = tpu.memref_slice %arg4[%mul3A_63] : memref<323584xi32, #tpu.memory_space<hbm>> -> memref<128xi32, #tpu.memory_space<hbm>>
        %dma_start3A_69 = tpu.memref_slice %arg4[%mul3A_63] : memref<323584xi32, #tpu.memory_space<hbm>> -> memref<128xi32, #tpu.memory_space<hbm>>
        tpu.enqueue_dma source(%dma_start3A_69 : memref<128xi32, #tpu.memory_space<hbm>>) target(%arg10 : memref<128xi32, #tpu.memory_space<vmem>>) target_semaphore(%run_scoped3A : memref<!tpu.dma_semaphore, #tpu.memory_space<semaphore_mem>>)
        %dma_wait3A_70 = tpu.memref_slice %arg4[%mul3A_63] : memref<323584xi32, #tpu.memory_space<hbm>> -> memref<128xi32, #tpu.memory_space<hbm>>
        %dma_wait3A_71 = tpu.memref_slice %arg4[%mul3A_63] : memref<323584xi32, #tpu.memory_space<hbm>> -> memref<128xi32, #tpu.memory_space<hbm>>
        tpu.wait_dma2 semaphore(%run_scoped3A : memref<!tpu.dma_semaphore, #tpu.memory_space<semaphore_mem>>) src(%dma_wait3A_71 : memref<128xi32, #tpu.memory_space<hbm>>) dst(%arg10 : memref<128xi32, #tpu.memory_space<vmem>>)
        tpu.yield
      }) : () -> ()
      %dma_start3A = arith.constant 0 : i32
      %dma_start3A_64 = arith.constant 0 : i32
      %dma_start3A_65 = tpu.memref_slice %arg2[%dma_start3A, %dma_start3A_64] : memref<10000x128xf32, #tpu.memory_space<hbm>> -> memref<10000x128xf32, #tpu.memory_space<hbm>>
      tpu.enqueue_indirect_dma source(%dma_start3A_65 : memref<10000x128xf32, #tpu.memory_space<hbm>>) target(%arg11 : memref<128x128xf32, #tpu.memory_space<vmem>>) offsets(%arg9 : memref<128xi32, #tpu.memory_space<vmem>>) semaphore(%arg13 : memref<!tpu.dma_semaphore, #tpu.memory_space<semaphore_mem>>)
      %dma_wait3A = arith.constant 0 : i32
      %dma_wait3A_66 = arith.constant 0 : i32
      %dma_wait3A_67 = tpu.memref_slice %arg2[%dma_wait3A, %dma_wait3A_66] : memref<10000x128xf32, #tpu.memory_space<hbm>> -> memref<10000x128xf32, #tpu.memory_space<hbm>>
      tpu.wait_indirect_dma semaphore(%arg13 : memref<!tpu.dma_semaphore, #tpu.memory_space<semaphore_mem>>) src(%dma_wait3A_67 : memref<10000x128xf32, #tpu.memory_space<hbm>>) dst(%arg11 : memref<128x128xf32, #tpu.memory_space<vmem>>)
      "tpu.region"() ({
        %run_scoped3A = tpu.sem_alloc : memref<!tpu.dma_semaphore, #tpu.memory_space<semaphore_mem>>
        %dma_start3A_68 = arith.constant 0 : i32
        %dma_start3A_69 = arith.constant 0 : i32
        %dma_start3A_70 = tpu.memref_slice %arg12[%dma_start3A_68, %dma_start3A_69] : memref<10240x128xf32, #tpu.memory_space<vmem_shared>> -> memref<10240x128xf32, #tpu.memory_space<vmem_shared>>
        tpu.enqueue_indirect_dma source(%arg11 : memref<128x128xf32, #tpu.memory_space<vmem>>) target(%dma_start3A_70 : memref<10240x128xf32, #tpu.memory_space<vmem_shared>>) offsets(%arg10 : memref<128xi32, #tpu.memory_space<vmem>>) semaphore(%run_scoped3A : memref<!tpu.dma_semaphore, #tpu.memory_space<semaphore_mem>>) {add = true}
        %dma_wait3A_71 = arith.constant 0 : i32
        %dma_wait3A_72 = arith.constant 0 : i32
        %dma_wait3A_73 = tpu.memref_slice %arg12[%dma_wait3A_71, %dma_wait3A_72] : memref<10240x128xf32, #tpu.memory_space<vmem_shared>> -> memref<10240x128xf32, #tpu.memory_space<vmem_shared>>
        tpu.wait_indirect_dma semaphore(%run_scoped3A : memref<!tpu.dma_semaphore, #tpu.memory_space<semaphore_mem>>) src(%arg11 : memref<128x128xf32, #tpu.memory_space<vmem>>) dst(%dma_wait3A_73 : memref<10240x128xf32, #tpu.memory_space<vmem_shared>>)
        tpu.yield
      }) : () -> ()
      "tpu.region"() ({
        %run_scoped3A = tpu.sem_alloc : memref<!tpu.dma_semaphore, #tpu.memory_space<semaphore_mem>>
        %dma_start3A_68 = arith.constant 0 : i32
        %dma_start3A_69 = tpu.memref_slice %arg15[%dma_start3A_68] : memref<10240xf32, #tpu.memory_space<vmem_shared>> -> memref<10240xf32, #tpu.memory_space<vmem_shared>>
        tpu.enqueue_indirect_dma source(%arg14 : memref<128xf32, #tpu.memory_space<vmem>>) target(%dma_start3A_69 : memref<10240xf32, #tpu.memory_space<vmem_shared>>) offsets(%arg10 : memref<128xi32, #tpu.memory_space<vmem>>) semaphore(%run_scoped3A : memref<!tpu.dma_semaphore, #tpu.memory_space<semaphore_mem>>) {add = true}
        %dma_wait3A_70 = arith.constant 0 : i32
        %dma_wait3A_71 = tpu.memref_slice %arg15[%dma_wait3A_70] : memref<10240xf32, #tpu.memory_space<vmem_shared>> -> memref<10240xf32, #tpu.memory_space<vmem_shared>>
        tpu.wait_indirect_dma semaphore(%run_scoped3A : memref<!tpu.dma_semaphore, #tpu.memory_space<semaphore_mem>>) src(%arg14 : memref<128xf32, #tpu.memory_space<vmem>>) dst(%dma_wait3A_71 : memref<10240xf32, #tpu.memory_space<vmem_shared>>)
        tpu.yield
      }) : () -> ()
    }
    %scan3A_53 = arith.constant 79 : i32
    %barrier3A_54 = arith.constant 0 : index
    tpu.barrier barrier_id(%barrier3A_54)
    %mul3A_55 = arith.constant 10240 : i32
    %mul3A_56 = arith.muli %arg0, %mul3A_55 : i32
    %add3A_57 = arith.addi %mul3A_56, %mul3A_2 : i32
    "tpu.region"() ({
      %run_scoped3A = tpu.sem_alloc : memref<!tpu.dma_semaphore, #tpu.memory_space<semaphore_mem>>
      %dma_start3A = arith.constant 0 : i32
      %dma_start3A_58 = tpu.memref_slice %arg7[%add3A_57, %dma_start3A] : memref<20480x128xf32, #tpu.memory_space<hbm>> -> memref<640x128xf32, #tpu.memory_space<hbm>>
      %dma_start3A_59 = arith.constant 0 : i32
      %dma_start3A_60 = tpu.memref_slice %arg12[%mul3A_2, %dma_start3A_59] : memref<10240x128xf32, #tpu.memory_space<vmem_shared>> -> memref<640x128xf32, #tpu.memory_space<vmem_shared>>
      tpu.enqueue_dma source(%dma_start3A_60 : memref<640x128xf32, #tpu.memory_space<vmem_shared>>) target(%dma_start3A_58 : memref<640x128xf32, #tpu.memory_space<hbm>>) target_semaphore(%run_scoped3A : memref<!tpu.dma_semaphore, #tpu.memory_space<semaphore_mem>>)
      %dma_wait3A = arith.constant 0 : i32
      %dma_wait3A_61 = tpu.memref_slice %arg7[%add3A_57, %dma_wait3A] : memref<20480x128xf32, #tpu.memory_space<hbm>> -> memref<640x128xf32, #tpu.memory_space<hbm>>
      %dma_wait3A_62 = arith.constant 0 : i32
      %dma_wait3A_63 = tpu.memref_slice %arg12[%mul3A_2, %dma_wait3A_62] : memref<10240x128xf32, #tpu.memory_space<vmem_shared>> -> memref<640x128xf32, #tpu.memory_space<vmem_shared>>
      tpu.wait_dma2 semaphore(%run_scoped3A : memref<!tpu.dma_semaphore, #tpu.memory_space<semaphore_mem>>) src(%dma_wait3A_63 : memref<640x128xf32, #tpu.memory_space<vmem_shared>>) dst(%dma_wait3A_61 : memref<640x128xf32, #tpu.memory_space<hbm>>)
      tpu.yield
    }) : () -> ()
    "tpu.region"() ({
      %run_scoped3A = tpu.sem_alloc : memref<!tpu.dma_semaphore, #tpu.memory_space<semaphore_mem>>
      %dma_start3A = tpu.memref_slice %arg8[%add3A_57] : memref<20480xf32, #tpu.memory_space<hbm>> -> memref<640xf32, #tpu.memory_space<hbm>>
      %dma_start3A_58 = tpu.memref_slice %arg15[%mul3A_2] : memref<10240xf32, #tpu.memory_space<vmem_shared>> -> memref<640xf32, #tpu.memory_space<vmem_shared>>
      tpu.enqueue_dma source(%dma_start3A_58 : memref<640xf32, #tpu.memory_space<vmem_shared>>) target(%dma_start3A : memref<640xf32, #tpu.memory_space<hbm>>) target_semaphore(%run_scoped3A : memref<!tpu.dma_semaphore, #tpu.memory_space<semaphore_mem>>)
      %dma_wait3A = tpu.memref_slice %arg8[%add3A_57] : memref<20480xf32, #tpu.memory_space<hbm>> -> memref<640xf32, #tpu.memory_space<hbm>>
      %dma_wait3A_59 = tpu.memref_slice %arg15[%mul3A_2] : memref<10240xf32, #tpu.memory_space<vmem_shared>> -> memref<640xf32, #tpu.memory_space<vmem_shared>>
      tpu.wait_dma2 semaphore(%run_scoped3A : memref<!tpu.dma_semaphore, #tpu.memory_space<semaphore_mem>>) src(%dma_wait3A_59 : memref<640xf32, #tpu.memory_space<vmem_shared>>) dst(%dma_wait3A : memref<640xf32, #tpu.memory_space<hbm>>)
      tpu.yield
    }) : () -> ()
    return
  }
}

#map = affine_map<(d0, d1) -> (0, 0)>
#map1 = affine_map<(d0, d1) -> (0)>
module attributes {stable_mosaic.version = 14 : i64} {
  func.func @body(%arg0: i32, %arg1: i32, %arg2: memref<10000x128xf32, #tpu.memory_space<hbm>>, %arg3: memref<323584xi32, #tpu.memory_space<hbm>>, %arg4: memref<323584xi32, #tpu.memory_space<hbm>>, %arg5: memref<10240x128xf32, #tpu.memory_space<hbm>>, %arg6: memref<10240xf32, #tpu.memory_space<hbm>>, %arg7: memref<20480x128xf32, #tpu.memory_space<hbm>>, %arg8: memref<128xi32, #tpu.memory_space<vmem>>, %arg9: memref<128xi32, #tpu.memory_space<vmem>>, %arg10: memref<128x128xf32, #tpu.memory_space<vmem>>, %arg11: memref<10240x128xf32, #tpu.memory_space<vmem_shared>>, %arg12: memref<!tpu.dma_semaphore, #tpu.memory_space<semaphore_mem>>) attributes {dimension_semantics = [#tpu.dimension_semantics<core_parallel>, #tpu.dimension_semantics<subcore_parallel>], iteration_bounds = array<i64: 2, 16>, scalar_prefetch = 0 : i64, scratch_operands = 5 : i64, tpu.core_type = #tpu.core_type<sc_vector_subcore>, window_params = [{transform_indices = #map}, {transform_indices = #map1}, {transform_indices = #map1}, {transform_indices = #map}, {transform_indices = #map1}, {transform_indices = #map}]} {
    %mul3A = arith.constant 2 : i32
    %mul3A_0 = arith.muli %arg1, %mul3A : i32
    %add3A = arith.addi %mul3A_0, %arg0 : i32
    %mul3A_1 = arith.constant 640 : i32
    %mul3A_2 = arith.muli %arg1, %mul3A_1 : i32
    "tpu.region"() ({
      %run_scoped3A = tpu.sem_alloc : memref<!tpu.dma_semaphore, #tpu.memory_space<semaphore_mem>>
      %dma_start3A = arith.constant 0 : i32
      %dma_start3A_12 = tpu.memref_slice %arg11[%mul3A_2, %dma_start3A] : memref<10240x128xf32, #tpu.memory_space<vmem_shared>> -> memref<640x128xf32, #tpu.memory_space<vmem_shared>>
      %dma_start3A_13 = arith.constant 0 : i32
      %dma_start3A_14 = tpu.memref_slice %arg5[%mul3A_2, %dma_start3A_13] : memref<10240x128xf32, #tpu.memory_space<hbm>> -> memref<640x128xf32, #tpu.memory_space<hbm>>
      tpu.enqueue_dma source(%dma_start3A_14 : memref<640x128xf32, #tpu.memory_space<hbm>>) target(%dma_start3A_12 : memref<640x128xf32, #tpu.memory_space<vmem_shared>>) target_semaphore(%run_scoped3A : memref<!tpu.dma_semaphore, #tpu.memory_space<semaphore_mem>>)
      %dma_wait3A = arith.constant 0 : i32
      %dma_wait3A_15 = tpu.memref_slice %arg11[%mul3A_2, %dma_wait3A] : memref<10240x128xf32, #tpu.memory_space<vmem_shared>> -> memref<640x128xf32, #tpu.memory_space<vmem_shared>>
      %dma_wait3A_16 = arith.constant 0 : i32
      %dma_wait3A_17 = tpu.memref_slice %arg5[%mul3A_2, %dma_wait3A_16] : memref<10240x128xf32, #tpu.memory_space<hbm>> -> memref<640x128xf32, #tpu.memory_space<hbm>>
      tpu.wait_dma2 semaphore(%run_scoped3A : memref<!tpu.dma_semaphore, #tpu.memory_space<semaphore_mem>>) src(%dma_wait3A_17 : memref<640x128xf32, #tpu.memory_space<hbm>>) dst(%dma_wait3A_15 : memref<640x128xf32, #tpu.memory_space<vmem_shared>>)
      tpu.yield
    }) : () -> ()
    %barrier3A = arith.constant 0 : index
    tpu.barrier barrier_id(%barrier3A)
    %scan3A = arith.constant 0 : i32
    %scan3A_3 = arith.constant 0 : i32
    %scan3A_4 = arith.constant 79 : i32
    %scan3A_5 = arith.addi %scan3A_3, %scan3A_4 : i32
    %scan3A_6 = arith.constant 1 : i32
    scf.for %scan3A_12 = %scan3A_3 to %scan3A_5 step %scan3A_6  : i32 {
      %mul3A_13 = arith.constant 79 : i32
      %mul3A_14 = arith.muli %add3A, %mul3A_13 : i32
      %add3A_15 = arith.addi %mul3A_14, %scan3A_12 : i32
      %mul3A_16 = arith.constant 128 : i32
      %mul3A_17 = arith.muli %add3A_15, %mul3A_16 : i32
      "tpu.region"() ({
        %run_scoped3A = tpu.sem_alloc : memref<!tpu.dma_semaphore, #tpu.memory_space<semaphore_mem>>
        %dma_start3A_22 = tpu.memref_slice %arg3[%mul3A_17] : memref<323584xi32, #tpu.memory_space<hbm>> -> memref<128xi32, #tpu.memory_space<hbm>>
        %dma_start3A_23 = tpu.memref_slice %arg3[%mul3A_17] : memref<323584xi32, #tpu.memory_space<hbm>> -> memref<128xi32, #tpu.memory_space<hbm>>
        tpu.enqueue_dma source(%dma_start3A_23 : memref<128xi32, #tpu.memory_space<hbm>>) target(%arg8 : memref<128xi32, #tpu.memory_space<vmem>>) target_semaphore(%run_scoped3A : memref<!tpu.dma_semaphore, #tpu.memory_space<semaphore_mem>>)
        %dma_wait3A_24 = tpu.memref_slice %arg3[%mul3A_17] : memref<323584xi32, #tpu.memory_space<hbm>> -> memref<128xi32, #tpu.memory_space<hbm>>
        %dma_wait3A_25 = tpu.memref_slice %arg3[%mul3A_17] : memref<323584xi32, #tpu.memory_space<hbm>> -> memref<128xi32, #tpu.memory_space<hbm>>
        tpu.wait_dma2 semaphore(%run_scoped3A : memref<!tpu.dma_semaphore, #tpu.memory_space<semaphore_mem>>) src(%dma_wait3A_25 : memref<128xi32, #tpu.memory_space<hbm>>) dst(%arg8 : memref<128xi32, #tpu.memory_space<vmem>>)
        tpu.yield
      }) : () -> ()
      "tpu.region"() ({
        %run_scoped3A = tpu.sem_alloc : memref<!tpu.dma_semaphore, #tpu.memory_space<semaphore_mem>>
        %dma_start3A_22 = tpu.memref_slice %arg4[%mul3A_17] : memref<323584xi32, #tpu.memory_space<hbm>> -> memref<128xi32, #tpu.memory_space<hbm>>
        %dma_start3A_23 = tpu.memref_slice %arg4[%mul3A_17] : memref<323584xi32, #tpu.memory_space<hbm>> -> memref<128xi32, #tpu.memory_space<hbm>>
        tpu.enqueue_dma source(%dma_start3A_23 : memref<128xi32, #tpu.memory_space<hbm>>) target(%arg9 : memref<128xi32, #tpu.memory_space<vmem>>) target_semaphore(%run_scoped3A : memref<!tpu.dma_semaphore, #tpu.memory_space<semaphore_mem>>)
        %dma_wait3A_24 = tpu.memref_slice %arg4[%mul3A_17] : memref<323584xi32, #tpu.memory_space<hbm>> -> memref<128xi32, #tpu.memory_space<hbm>>
        %dma_wait3A_25 = tpu.memref_slice %arg4[%mul3A_17] : memref<323584xi32, #tpu.memory_space<hbm>> -> memref<128xi32, #tpu.memory_space<hbm>>
        tpu.wait_dma2 semaphore(%run_scoped3A : memref<!tpu.dma_semaphore, #tpu.memory_space<semaphore_mem>>) src(%dma_wait3A_25 : memref<128xi32, #tpu.memory_space<hbm>>) dst(%arg9 : memref<128xi32, #tpu.memory_space<vmem>>)
        tpu.yield
      }) : () -> ()
      %dma_start3A = arith.constant 0 : i32
      %dma_start3A_18 = arith.constant 0 : i32
      %dma_start3A_19 = tpu.memref_slice %arg2[%dma_start3A, %dma_start3A_18] : memref<10000x128xf32, #tpu.memory_space<hbm>> -> memref<10000x128xf32, #tpu.memory_space<hbm>>
      tpu.enqueue_indirect_dma source(%dma_start3A_19 : memref<10000x128xf32, #tpu.memory_space<hbm>>) target(%arg10 : memref<128x128xf32, #tpu.memory_space<vmem>>) offsets(%arg8 : memref<128xi32, #tpu.memory_space<vmem>>) semaphore(%arg12 : memref<!tpu.dma_semaphore, #tpu.memory_space<semaphore_mem>>)
      %dma_wait3A = arith.constant 0 : i32
      %dma_wait3A_20 = arith.constant 0 : i32
      %dma_wait3A_21 = tpu.memref_slice %arg2[%dma_wait3A, %dma_wait3A_20] : memref<10000x128xf32, #tpu.memory_space<hbm>> -> memref<10000x128xf32, #tpu.memory_space<hbm>>
      tpu.wait_indirect_dma semaphore(%arg12 : memref<!tpu.dma_semaphore, #tpu.memory_space<semaphore_mem>>) src(%dma_wait3A_21 : memref<10000x128xf32, #tpu.memory_space<hbm>>) dst(%arg10 : memref<128x128xf32, #tpu.memory_space<vmem>>)
      "tpu.region"() ({
        %run_scoped3A = tpu.sem_alloc : memref<!tpu.dma_semaphore, #tpu.memory_space<semaphore_mem>>
        %dma_start3A_22 = arith.constant 0 : i32
        %dma_start3A_23 = arith.constant 0 : i32
        %dma_start3A_24 = tpu.memref_slice %arg11[%dma_start3A_22, %dma_start3A_23] : memref<10240x128xf32, #tpu.memory_space<vmem_shared>> -> memref<10240x128xf32, #tpu.memory_space<vmem_shared>>
        tpu.enqueue_indirect_dma source(%arg10 : memref<128x128xf32, #tpu.memory_space<vmem>>) target(%dma_start3A_24 : memref<10240x128xf32, #tpu.memory_space<vmem_shared>>) offsets(%arg9 : memref<128xi32, #tpu.memory_space<vmem>>) semaphore(%run_scoped3A : memref<!tpu.dma_semaphore, #tpu.memory_space<semaphore_mem>>) {add = true}
        %dma_wait3A_25 = arith.constant 0 : i32
        %dma_wait3A_26 = arith.constant 0 : i32
        %dma_wait3A_27 = tpu.memref_slice %arg11[%dma_wait3A_25, %dma_wait3A_26] : memref<10240x128xf32, #tpu.memory_space<vmem_shared>> -> memref<10240x128xf32, #tpu.memory_space<vmem_shared>>
        tpu.wait_indirect_dma semaphore(%run_scoped3A : memref<!tpu.dma_semaphore, #tpu.memory_space<semaphore_mem>>) src(%arg10 : memref<128x128xf32, #tpu.memory_space<vmem>>) dst(%dma_wait3A_27 : memref<10240x128xf32, #tpu.memory_space<vmem_shared>>)
        tpu.yield
      }) : () -> ()
    }
    %scan3A_7 = arith.constant 79 : i32
    %barrier3A_8 = arith.constant 0 : index
    tpu.barrier barrier_id(%barrier3A_8)
    %mul3A_9 = arith.constant 10240 : i32
    %mul3A_10 = arith.muli %arg0, %mul3A_9 : i32
    %add3A_11 = arith.addi %mul3A_10, %mul3A_2 : i32
    "tpu.region"() ({
      %run_scoped3A = tpu.sem_alloc : memref<!tpu.dma_semaphore, #tpu.memory_space<semaphore_mem>>
      %dma_start3A = arith.constant 0 : i32
      %dma_start3A_12 = tpu.memref_slice %arg7[%add3A_11, %dma_start3A] : memref<20480x128xf32, #tpu.memory_space<hbm>> -> memref<640x128xf32, #tpu.memory_space<hbm>>
      %dma_start3A_13 = arith.constant 0 : i32
      %dma_start3A_14 = tpu.memref_slice %arg11[%mul3A_2, %dma_start3A_13] : memref<10240x128xf32, #tpu.memory_space<vmem_shared>> -> memref<640x128xf32, #tpu.memory_space<vmem_shared>>
      tpu.enqueue_dma source(%dma_start3A_14 : memref<640x128xf32, #tpu.memory_space<vmem_shared>>) target(%dma_start3A_12 : memref<640x128xf32, #tpu.memory_space<hbm>>) target_semaphore(%run_scoped3A : memref<!tpu.dma_semaphore, #tpu.memory_space<semaphore_mem>>)
      %dma_wait3A = arith.constant 0 : i32
      %dma_wait3A_15 = tpu.memref_slice %arg7[%add3A_11, %dma_wait3A] : memref<20480x128xf32, #tpu.memory_space<hbm>> -> memref<640x128xf32, #tpu.memory_space<hbm>>
      %dma_wait3A_16 = arith.constant 0 : i32
      %dma_wait3A_17 = tpu.memref_slice %arg11[%mul3A_2, %dma_wait3A_16] : memref<10240x128xf32, #tpu.memory_space<vmem_shared>> -> memref<640x128xf32, #tpu.memory_space<vmem_shared>>
      tpu.wait_dma2 semaphore(%run_scoped3A : memref<!tpu.dma_semaphore, #tpu.memory_space<semaphore_mem>>) src(%dma_wait3A_17 : memref<640x128xf32, #tpu.memory_space<vmem_shared>>) dst(%dma_wait3A_15 : memref<640x128xf32, #tpu.memory_space<hbm>>)
      tpu.yield
    }) : () -> ()
    return
  }
}

#map = affine_map<(d0, d1) -> (0, 0)>
#map1 = affine_map<(d0, d1) -> (0)>
module attributes {stable_mosaic.version = 14 : i64} {
  func.func @body(%arg0: i32, %arg1: i32, %arg2: memref<10000x128xf32, #tpu.memory_space<hbm>>, %arg3: memref<323584xi32, #tpu.memory_space<hbm>>, %arg4: memref<323584xi32, #tpu.memory_space<hbm>>, %arg5: memref<10240x128xf32, #tpu.memory_space<hbm>>, %arg6: memref<10240xf32, #tpu.memory_space<hbm>>, %arg7: memref<20480x128xf32, #tpu.memory_space<hbm>>, %arg8: memref<128xi32, #tpu.memory_space<vmem>>, %arg9: memref<128xi32, #tpu.memory_space<vmem>>, %arg10: memref<128x128xf32, #tpu.memory_space<vmem>>, %arg11: memref<10240x128xf32, #tpu.memory_space<vmem_shared>>, %arg12: memref<!tpu.dma_semaphore, #tpu.memory_space<semaphore_mem>>) attributes {dimension_semantics = [#tpu.dimension_semantics<core_parallel>, #tpu.dimension_semantics<subcore_parallel>], iteration_bounds = array<i64: 2, 16>, scalar_prefetch = 0 : i64, scratch_operands = 5 : i64, tpu.core_type = #tpu.core_type<sc_vector_subcore>, window_params = [{transform_indices = #map}, {transform_indices = #map1}, {transform_indices = #map1}, {transform_indices = #map}, {transform_indices = #map1}, {transform_indices = #map}]} {
    %mul3A = arith.constant 2 : i32
    %mul3A_0 = arith.muli %arg1, %mul3A : i32
    %add3A = arith.addi %mul3A_0, %arg0 : i32
    %mul3A_1 = arith.constant 640 : i32
    %mul3A_2 = arith.muli %arg1, %mul3A_1 : i32
    "tpu.region"() ({
      %run_scoped3A = tpu.sem_alloc : memref<!tpu.dma_semaphore, #tpu.memory_space<semaphore_mem>>
      %dma_start3A = arith.constant 0 : i32
      %dma_start3A_12 = tpu.memref_slice %arg11[%mul3A_2, %dma_start3A] : memref<10240x128xf32, #tpu.memory_space<vmem_shared>> -> memref<640x128xf32, #tpu.memory_space<vmem_shared>>
      %dma_start3A_13 = arith.constant 0 : i32
      %dma_start3A_14 = tpu.memref_slice %arg5[%mul3A_2, %dma_start3A_13] : memref<10240x128xf32, #tpu.memory_space<hbm>> -> memref<640x128xf32, #tpu.memory_space<hbm>>
      tpu.enqueue_dma source(%dma_start3A_14 : memref<640x128xf32, #tpu.memory_space<hbm>>) target(%dma_start3A_12 : memref<640x128xf32, #tpu.memory_space<vmem_shared>>) target_semaphore(%run_scoped3A : memref<!tpu.dma_semaphore, #tpu.memory_space<semaphore_mem>>)
      %dma_wait3A = arith.constant 0 : i32
      %dma_wait3A_15 = tpu.memref_slice %arg11[%mul3A_2, %dma_wait3A] : memref<10240x128xf32, #tpu.memory_space<vmem_shared>> -> memref<640x128xf32, #tpu.memory_space<vmem_shared>>
      %dma_wait3A_16 = arith.constant 0 : i32
      %dma_wait3A_17 = tpu.memref_slice %arg5[%mul3A_2, %dma_wait3A_16] : memref<10240x128xf32, #tpu.memory_space<hbm>> -> memref<640x128xf32, #tpu.memory_space<hbm>>
      tpu.wait_dma2 semaphore(%run_scoped3A : memref<!tpu.dma_semaphore, #tpu.memory_space<semaphore_mem>>) src(%dma_wait3A_17 : memref<640x128xf32, #tpu.memory_space<hbm>>) dst(%dma_wait3A_15 : memref<640x128xf32, #tpu.memory_space<vmem_shared>>)
      tpu.yield
    }) : () -> ()
    %barrier3A = arith.constant 0 : index
    tpu.barrier barrier_id(%barrier3A)
    %scan3A = arith.constant 0 : i32
    %scan3A_3 = arith.constant 0 : i32
    %scan3A_4 = arith.constant 79 : i32
    %scan3A_5 = arith.addi %scan3A_3, %scan3A_4 : i32
    %scan3A_6 = arith.constant 1 : i32
    scf.for %scan3A_12 = %scan3A_3 to %scan3A_5 step %scan3A_6  : i32 {
      %mul3A_13 = arith.constant 79 : i32
      %mul3A_14 = arith.muli %add3A, %mul3A_13 : i32
      %add3A_15 = arith.addi %mul3A_14, %scan3A_12 : i32
      %mul3A_16 = arith.constant 128 : i32
      %mul3A_17 = arith.muli %add3A_15, %mul3A_16 : i32
      "tpu.region"() ({
        %run_scoped3A = tpu.sem_alloc : memref<!tpu.dma_semaphore, #tpu.memory_space<semaphore_mem>>
        %dma_start3A_22 = tpu.memref_slice %arg3[%mul3A_17] : memref<323584xi32, #tpu.memory_space<hbm>> -> memref<128xi32, #tpu.memory_space<hbm>>
        %dma_start3A_23 = tpu.memref_slice %arg3[%mul3A_17] : memref<323584xi32, #tpu.memory_space<hbm>> -> memref<128xi32, #tpu.memory_space<hbm>>
        tpu.enqueue_dma source(%dma_start3A_23 : memref<128xi32, #tpu.memory_space<hbm>>) target(%arg8 : memref<128xi32, #tpu.memory_space<vmem>>) target_semaphore(%run_scoped3A : memref<!tpu.dma_semaphore, #tpu.memory_space<semaphore_mem>>)
        %dma_wait3A_24 = tpu.memref_slice %arg3[%mul3A_17] : memref<323584xi32, #tpu.memory_space<hbm>> -> memref<128xi32, #tpu.memory_space<hbm>>
        %dma_wait3A_25 = tpu.memref_slice %arg3[%mul3A_17] : memref<323584xi32, #tpu.memory_space<hbm>> -> memref<128xi32, #tpu.memory_space<hbm>>
        tpu.wait_dma2 semaphore(%run_scoped3A : memref<!tpu.dma_semaphore, #tpu.memory_space<semaphore_mem>>) src(%dma_wait3A_25 : memref<128xi32, #tpu.memory_space<hbm>>) dst(%arg8 : memref<128xi32, #tpu.memory_space<vmem>>)
        tpu.yield
      }) : () -> ()
      "tpu.region"() ({
        %run_scoped3A = tpu.sem_alloc : memref<!tpu.dma_semaphore, #tpu.memory_space<semaphore_mem>>
        %dma_start3A_22 = tpu.memref_slice %arg4[%mul3A_17] : memref<323584xi32, #tpu.memory_space<hbm>> -> memref<128xi32, #tpu.memory_space<hbm>>
        %dma_start3A_23 = tpu.memref_slice %arg4[%mul3A_17] : memref<323584xi32, #tpu.memory_space<hbm>> -> memref<128xi32, #tpu.memory_space<hbm>>
        tpu.enqueue_dma source(%dma_start3A_23 : memref<128xi32, #tpu.memory_space<hbm>>) target(%arg9 : memref<128xi32, #tpu.memory_space<vmem>>) target_semaphore(%run_scoped3A : memref<!tpu.dma_semaphore, #tpu.memory_space<semaphore_mem>>)
        %dma_wait3A_24 = tpu.memref_slice %arg4[%mul3A_17] : memref<323584xi32, #tpu.memory_space<hbm>> -> memref<128xi32, #tpu.memory_space<hbm>>
        %dma_wait3A_25 = tpu.memref_slice %arg4[%mul3A_17] : memref<323584xi32, #tpu.memory_space<hbm>> -> memref<128xi32, #tpu.memory_space<hbm>>
        tpu.wait_dma2 semaphore(%run_scoped3A : memref<!tpu.dma_semaphore, #tpu.memory_space<semaphore_mem>>) src(%dma_wait3A_25 : memref<128xi32, #tpu.memory_space<hbm>>) dst(%arg9 : memref<128xi32, #tpu.memory_space<vmem>>)
        tpu.yield
      }) : () -> ()
      %dma_start3A = arith.constant 0 : i32
      %dma_start3A_18 = arith.constant 0 : i32
      %dma_start3A_19 = tpu.memref_slice %arg2[%dma_start3A, %dma_start3A_18] : memref<10000x128xf32, #tpu.memory_space<hbm>> -> memref<10000x128xf32, #tpu.memory_space<hbm>>
      tpu.enqueue_indirect_dma source(%dma_start3A_19 : memref<10000x128xf32, #tpu.memory_space<hbm>>) target(%arg10 : memref<128x128xf32, #tpu.memory_space<vmem>>) offsets(%arg8 : memref<128xi32, #tpu.memory_space<vmem>>) semaphore(%arg12 : memref<!tpu.dma_semaphore, #tpu.memory_space<semaphore_mem>>)
      %dma_wait3A = arith.constant 0 : i32
      %dma_wait3A_20 = arith.constant 0 : i32
      %dma_wait3A_21 = tpu.memref_slice %arg2[%dma_wait3A, %dma_wait3A_20] : memref<10000x128xf32, #tpu.memory_space<hbm>> -> memref<10000x128xf32, #tpu.memory_space<hbm>>
      tpu.wait_indirect_dma semaphore(%arg12 : memref<!tpu.dma_semaphore, #tpu.memory_space<semaphore_mem>>) src(%dma_wait3A_21 : memref<10000x128xf32, #tpu.memory_space<hbm>>) dst(%arg10 : memref<128x128xf32, #tpu.memory_space<vmem>>)
      "tpu.region"() ({
        %run_scoped3A = tpu.sem_alloc : memref<!tpu.dma_semaphore, #tpu.memory_space<semaphore_mem>>
        %dma_start3A_22 = arith.constant 0 : i32
        %dma_start3A_23 = arith.constant 0 : i32
        %dma_start3A_24 = tpu.memref_slice %arg11[%dma_start3A_22, %dma_start3A_23] : memref<10240x128xf32, #tpu.memory_space<vmem_shared>> -> memref<10240x128xf32, #tpu.memory_space<vmem_shared>>
        tpu.enqueue_indirect_dma source(%arg10 : memref<128x128xf32, #tpu.memory_space<vmem>>) target(%dma_start3A_24 : memref<10240x128xf32, #tpu.memory_space<vmem_shared>>) offsets(%arg9 : memref<128xi32, #tpu.memory_space<vmem>>) semaphore(%run_scoped3A : memref<!tpu.dma_semaphore, #tpu.memory_space<semaphore_mem>>) {add = true}
        %dma_wait3A_25 = arith.constant 0 : i32
        %dma_wait3A_26 = arith.constant 0 : i32
        %dma_wait3A_27 = tpu.memref_slice %arg11[%dma_wait3A_25, %dma_wait3A_26] : memref<10240x128xf32, #tpu.memory_space<vmem_shared>> -> memref<10240x128xf32, #tpu.memory_space<vmem_shared>>
        tpu.wait_indirect_dma semaphore(%run_scoped3A : memref<!tpu.dma_semaphore, #tpu.memory_space<semaphore_mem>>) src(%arg10 : memref<128x128xf32, #tpu.memory_space<vmem>>) dst(%dma_wait3A_27 : memref<10240x128xf32, #tpu.memory_space<vmem_shared>>)
        tpu.yield
      }) : () -> ()
    }
    %scan3A_7 = arith.constant 79 : i32
    %barrier3A_8 = arith.constant 0 : index
    tpu.barrier barrier_id(%barrier3A_8)
    %mul3A_9 = arith.constant 10240 : i32
    %mul3A_10 = arith.muli %arg0, %mul3A_9 : i32
    %add3A_11 = arith.addi %mul3A_10, %mul3A_2 : i32
    "tpu.region"() ({
      %run_scoped3A = tpu.sem_alloc : memref<!tpu.dma_semaphore, #tpu.memory_space<semaphore_mem>>
      %dma_start3A = arith.constant 0 : i32
      %dma_start3A_12 = tpu.memref_slice %arg7[%add3A_11, %dma_start3A] : memref<20480x128xf32, #tpu.memory_space<hbm>> -> memref<640x128xf32, #tpu.memory_space<hbm>>
      %dma_start3A_13 = arith.constant 0 : i32
      %dma_start3A_14 = tpu.memref_slice %arg11[%mul3A_2, %dma_start3A_13] : memref<10240x128xf32, #tpu.memory_space<vmem_shared>> -> memref<640x128xf32, #tpu.memory_space<vmem_shared>>
      tpu.enqueue_dma source(%dma_start3A_14 : memref<640x128xf32, #tpu.memory_space<vmem_shared>>) target(%dma_start3A_12 : memref<640x128xf32, #tpu.memory_space<hbm>>) target_semaphore(%run_scoped3A : memref<!tpu.dma_semaphore, #tpu.memory_space<semaphore_mem>>)
      %dma_wait3A = arith.constant 0 : i32
      %dma_wait3A_15 = tpu.memref_slice %arg7[%add3A_11, %dma_wait3A] : memref<20480x128xf32, #tpu.memory_space<hbm>> -> memref<640x128xf32, #tpu.memory_space<hbm>>
      %dma_wait3A_16 = arith.constant 0 : i32
      %dma_wait3A_17 = tpu.memref_slice %arg11[%mul3A_2, %dma_wait3A_16] : memref<10240x128xf32, #tpu.memory_space<vmem_shared>> -> memref<640x128xf32, #tpu.memory_space<vmem_shared>>
      tpu.wait_dma2 semaphore(%run_scoped3A : memref<!tpu.dma_semaphore, #tpu.memory_space<semaphore_mem>>) src(%dma_wait3A_17 : memref<640x128xf32, #tpu.memory_space<vmem_shared>>) dst(%dma_wait3A_15 : memref<640x128xf32, #tpu.memory_space<hbm>>)
      tpu.yield
    }) : () -> ()
    return
  }
}

module attributes {stable_mosaic.version = 14 : i64} {
  func.func @_tc_layer_body(%arg0: i32, %arg1: memref<2000x128xf32, #tpu.memory_space<vmem>>, %arg2: memref<2000x128xf32, #tpu.memory_space<vmem>>, %arg3: memref<2000x1xf32, #tpu.memory_space<vmem>>, %arg4: memref<2000x1xf32, #tpu.memory_space<vmem>>, %arg5: memref<2000x128xf32, #tpu.memory_space<vmem>>, %arg6: memref<128x128xf32, #tpu.memory_space<vmem>>, %arg7: memref<128x128xf32, #tpu.memory_space<vmem>>, %arg8: memref<1x128xf32, #tpu.memory_space<vmem>>, %arg9: memref<1x128xf32, #tpu.memory_space<vmem>>, %arg10: memref<1x128xf32, #tpu.memory_space<vmem>>, %arg11: memref<2000x128xf32, #tpu.memory_space<vmem>>) attributes {dimension_semantics = [#tpu.dimension_semantics<arbitrary>], iteration_bounds = array<i64: 5>, scalar_prefetch = 0 : i64, scratch_operands = 0 : i64, tpu.core_type = #tpu.core_type<tc>, window_params = [{transform_indices = @transform_0, window_bounds = array<i64: 2000, 128>}, {transform_indices = @transform_1, window_bounds = array<i64: 2000, 128>}, {transform_indices = @transform_2, window_bounds = array<i64: 2000, 1>}, {transform_indices = @transform_3, window_bounds = array<i64: 2000, 1>}, {transform_indices = @transform_4, window_bounds = array<i64: 2000, 128>}, {pipeline_mode = #tpu.pipeline_mode<synchronous>, transform_indices = @transform_5, window_bounds = array<i64: 128, 128>}, {pipeline_mode = #tpu.pipeline_mode<synchronous>, transform_indices = @transform_6, window_bounds = array<i64: 128, 128>}, {pipeline_mode = #tpu.pipeline_mode<synchronous>, transform_indices = @transform_7, window_bounds = array<i64: 1, 128>}, {pipeline_mode = #tpu.pipeline_mode<synchronous>, transform_indices = @transform_8, window_bounds = array<i64: 1, 128>}, {pipeline_mode = #tpu.pipeline_mode<synchronous>, transform_indices = @transform_9, window_bounds = array<i64: 1, 128>}, {transform_indices = @transform_10, window_bounds = array<i64: 2000, 128>}]} {
    %get3A = arith.constant 0 : index
    %get3A_0 = arith.constant 0 : index
    %get3A_1 = vector.load %arg3[%get3A, %get3A_0] : memref<2000x1xf32, #tpu.memory_space<vmem>>, vector<2000x1xf32>
    %get3A_2 = arith.constant 0 : index
    %get3A_3 = arith.constant 0 : index
    %get3A_4 = vector.load %arg4[%get3A_2, %get3A_3] : memref<2000x1xf32, #tpu.memory_space<vmem>>, vector<2000x1xf32>
    %add3A = arith.addf %get3A_1, %get3A_4 : vector<2000x1xf32>
    %max3A = arith.constant 1.000000e+00 : f32
    %max3A_5 = vector.broadcast %max3A : f32 to vector<2000x1xf32>
    %max3A_6 = arith.maximumf %add3A, %max3A_5 : vector<2000x1xf32>
    %get3A_7 = arith.constant 0 : index
    %get3A_8 = arith.constant 0 : index
    %get3A_9 = vector.load %arg1[%get3A_7, %get3A_8] : memref<2000x128xf32, #tpu.memory_space<vmem>>, vector<2000x128xf32>
    %get3A_10 = arith.constant 0 : index
    %get3A_11 = arith.constant 0 : index
    %get3A_12 = vector.load %arg2[%get3A_10, %get3A_11] : memref<2000x128xf32, #tpu.memory_space<vmem>>, vector<2000x128xf32>
    %add3A_13 = arith.addf %get3A_9, %get3A_12 : vector<2000x128xf32>
    %div3A = vector.broadcast %max3A_6 : vector<2000x1xf32> to vector<2000x128xf32>
    %div3A_14 = arith.divf %add3A_13, %div3A : vector<2000x128xf32>
    %get3A_15 = arith.constant 0 : index
    %get3A_16 = arith.constant 0 : index
    %get3A_17 = vector.load %arg6[%get3A_15, %get3A_16] : memref<128x128xf32, #tpu.memory_space<vmem>>, vector<128x128xf32>
    %dot_general3A = arith.constant dense<0.000000e+00> : vector<2000x128xf32>
    %dot_general3A_18 = tpu.matmul %div3A_14, %get3A_17, %dot_general3A {dimension_numbers = #tpu.dot_dimension_numbers<[1], [0], [0], [1], [0, 0, 1, 1], [], []>, transpose_lhs_hint = false} : vector<2000x128xf32>, vector<128x128xf32>, vector<2000x128xf32> -> vector<2000x128xf32>
    %get3A_19 = arith.constant 0 : index
    %get3A_20 = arith.constant 0 : index
    %get3A_21 = vector.load %arg5[%get3A_19, %get3A_20] : memref<2000x128xf32, #tpu.memory_space<vmem>>, vector<2000x128xf32>
    %get3A_22 = arith.constant 0 : index
    %get3A_23 = arith.constant 0 : index
    %get3A_24 = vector.load %arg7[%get3A_22, %get3A_23] : memref<128x128xf32, #tpu.memory_space<vmem>>, vector<128x128xf32>
    %dot_general3A_25 = arith.constant dense<0.000000e+00> : vector<2000x128xf32>
    %dot_general3A_26 = tpu.matmul %get3A_21, %get3A_24, %dot_general3A_25 {dimension_numbers = #tpu.dot_dimension_numbers<[1], [0], [0], [1], [0, 0, 1, 1], [], []>, transpose_lhs_hint = false} : vector<2000x128xf32>, vector<128x128xf32>, vector<2000x128xf32> -> vector<2000x128xf32>
    %add3A_27 = arith.addf %dot_general3A_18, %dot_general3A_26 : vector<2000x128xf32>
    %get3A_28 = arith.constant 0 : index
    %get3A_29 = arith.constant 0 : index
    %get3A_30 = vector.load %arg8[%get3A_28, %get3A_29] : memref<1x128xf32, #tpu.memory_space<vmem>>, vector<1x128xf32>
    %add3A_31 = vector.broadcast %get3A_30 : vector<1x128xf32> to vector<2000x128xf32>
    %add3A_32 = arith.addf %add3A_27, %add3A_31 : vector<2000x128xf32>
    %get3A_33 = arith.constant 0 : index
    %get3A_34 = arith.constant 0 : index
    %get3A_35 = vector.load %arg9[%get3A_33, %get3A_34] : memref<1x128xf32, #tpu.memory_space<vmem>>, vector<1x128xf32>
    %mul3A = arith.constant 0.999994993 : f32
    %mul3A_36 = vector.broadcast %mul3A : f32 to vector<2000x128xf32>
    %mul3A_37 = arith.mulf %add3A_32, %mul3A_36 : vector<2000x128xf32>
    %mul3A_38 = vector.broadcast %get3A_35 : vector<1x128xf32> to vector<2000x128xf32>
    %mul3A_39 = arith.mulf %mul3A_38, %mul3A_37 : vector<2000x128xf32>
    %get3A_40 = arith.constant 0 : index
    %get3A_41 = arith.constant 0 : index
    %get3A_42 = vector.load %arg10[%get3A_40, %get3A_41] : memref<1x128xf32, #tpu.memory_space<vmem>>, vector<1x128xf32>
    %add3A_43 = vector.broadcast %get3A_42 : vector<1x128xf32> to vector<2000x128xf32>
    %add3A_44 = arith.addf %mul3A_39, %add3A_43 : vector<2000x128xf32>
    %max3A_45 = arith.constant 0.000000e+00 : f32
    %max3A_46 = vector.broadcast %max3A_45 : f32 to vector<2000x128xf32>
    %max3A_47 = arith.maximumf %add3A_44, %max3A_46 : vector<2000x128xf32>
    %swap3A = arith.constant 0 : index
    %swap3A_48 = arith.constant 0 : index
    %swap3A_49 = vector.load %arg11[%swap3A, %swap3A_48] : memref<2000x128xf32, #tpu.memory_space<vmem>>, vector<2000x128xf32>
    tpu.vector_store %arg11[%swap3A, %swap3A_48], %max3A_47 {strides = array<i32>} : memref<2000x128xf32, #tpu.memory_space<vmem>>, vector<2000x128xf32>,
    return
  }
  func.func @transform_0(%arg0: i32) -> (i32, i32) {
    %c0_i32 = arith.constant 0 : i32
    %c0_i32_0 = arith.constant 0 : i32
    return %arg0, %c0_i32 : i32, i32
  }
  func.func @transform_1(%arg0: i32) -> (i32, i32) {
    %c0_i32 = arith.constant 0 : i32
    %c0_i32_0 = arith.constant 0 : i32
    return %arg0, %c0_i32 : i32, i32
  }
  func.func @transform_2(%arg0: i32) -> (i32, i32) {
    %c0_i32 = arith.constant 0 : i32
    %c0_i32_0 = arith.constant 0 : i32
    return %arg0, %c0_i32 : i32, i32
  }
  func.func @transform_3(%arg0: i32) -> (i32, i32) {
    %c0_i32 = arith.constant 0 : i32
    %c0_i32_0 = arith.constant 0 : i32
    return %arg0, %c0_i32 : i32, i32
  }
  func.func @transform_4(%arg0: i32) -> (i32, i32) {
    %c0_i32 = arith.constant 0 : i32
    %c0_i32_0 = arith.constant 0 : i32
    return %arg0, %c0_i32 : i32, i32
  }
  func.func @transform_5(%arg0: i32) -> (i32, i32) {
    %c0_i32 = arith.constant 0 : i32
    %c0_i32_0 = arith.constant 0 : i32
    %c0_i32_1 = arith.constant 0 : i32
    return %c0_i32, %c0_i32_0 : i32, i32
  }
  func.func @transform_6(%arg0: i32) -> (i32, i32) {
    %c0_i32 = arith.constant 0 : i32
    %c0_i32_0 = arith.constant 0 : i32
    %c0_i32_1 = arith.constant 0 : i32
    return %c0_i32, %c0_i32_0 : i32, i32
  }
  func.func @transform_7(%arg0: i32) -> (i32, i32) {
    %c0_i32 = arith.constant 0 : i32
    %c0_i32_0 = arith.constant 0 : i32
    %c0_i32_1 = arith.constant 0 : i32
    return %c0_i32, %c0_i32_0 : i32, i32
  }
  func.func @transform_8(%arg0: i32) -> (i32, i32) {
    %c0_i32 = arith.constant 0 : i32
    %c0_i32_0 = arith.constant 0 : i32
    %c0_i32_1 = arith.constant 0 : i32
    return %c0_i32, %c0_i32_0 : i32, i32
  }
  func.func @transform_9(%arg0: i32) -> (i32, i32) {
    %c0_i32 = arith.constant 0 : i32
    %c0_i32_0 = arith.constant 0 : i32
    %c0_i32_1 = arith.constant 0 : i32
    return %c0_i32, %c0_i32_0 : i32, i32
  }
  func.func @transform_10(%arg0: i32) -> (i32, i32) {
    %c0_i32 = arith.constant 0 : i32
    %c0_i32_0 = arith.constant 0 : i32
    return %arg0, %c0_i32 : i32, i32
  }
}

module attributes {stable_mosaic.version = 14 : i64} {
  func.func @_head_body(%arg0: i32, %arg1: memref<2000x128xf32, #tpu.memory_space<vmem>>, %arg2: memref<2000x128xf32, #tpu.memory_space<vmem>>, %arg3: memref<2000x128xf32, #tpu.memory_space<vmem>>, %arg4: memref<2000x1xf32, #tpu.memory_space<vmem>>, %arg5: memref<2000x1xi32, #tpu.memory_space<vmem>>, %arg6: memref<64x17xf32, #tpu.memory_space<vmem>>, %arg7: memref<128x256xf32, #tpu.memory_space<vmem>>, %arg8: memref<128x256xf32, #tpu.memory_space<vmem>>, %arg9: memref<128x256xf32, #tpu.memory_space<vmem>>, %arg10: memref<1x256xf32, #tpu.memory_space<vmem>>, %arg11: memref<256x64xf32, #tpu.memory_space<vmem>>, %arg12: memref<1x64xf32, #tpu.memory_space<vmem>>, %arg13: memref<64x1xf32, #tpu.memory_space<vmem>>, %arg14: memref<1x1xf32, #tpu.memory_space<vmem>>, %arg15: memref<17x32xf32, #tpu.memory_space<vmem>>, %arg16: memref<1x32xf32, #tpu.memory_space<vmem>>, %arg17: memref<128x32xf32, #tpu.memory_space<vmem>>, %arg18: memref<128x32xf32, #tpu.memory_space<vmem>>, %arg19: memref<128x32xf32, #tpu.memory_space<vmem>>, %arg20: memref<1x32xf32, #tpu.memory_space<vmem>>, %arg21: memref<32x1xf32, #tpu.memory_space<vmem>>, %arg22: memref<1x1xf32, #tpu.memory_space<vmem>>, %arg23: memref<2000x1xf32, #tpu.memory_space<vmem>>, %arg24: memref<64x1xf32, #tpu.memory_space<vmem>>, %arg25: memref<64x128xf32, #tpu.memory_space<vmem>>, %arg26: memref<64x128xf32, #tpu.memory_space<vmem>>, %arg27: memref<64x128xf32, #tpu.memory_space<vmem>>, %arg28: memref<64x1xf32, #tpu.memory_space<vmem>>, %arg29: memref<64x1xf32, #tpu.memory_space<vmem>>) attributes {dimension_semantics = [#tpu.dimension_semantics<arbitrary>], iteration_bounds = array<i64: 5>, scalar_prefetch = 0 : i64, scratch_operands = 5 : i64, tpu.core_type = #tpu.core_type<tc>, window_params = [{transform_indices = @transform_0, window_bounds = array<i64: 2000, 128>}, {transform_indices = @transform_1, window_bounds = array<i64: 2000, 128>}, {transform_indices = @transform_2, window_bounds = array<i64: 2000, 128>}, {transform_indices = @transform_3, window_bounds = array<i64: 2000, 1>}, {transform_indices = @transform_4, window_bounds = array<i64: 2000, 1>}, {pipeline_mode = #tpu.pipeline_mode<synchronous>, transform_indices = @transform_5, window_bounds = array<i64: 64, 17>}, {pipeline_mode = #tpu.pipeline_mode<synchronous>, transform_indices = @transform_6, window_bounds = array<i64: 128, 256>}, {pipeline_mode = #tpu.pipeline_mode<synchronous>, transform_indices = @transform_7, window_bounds = array<i64: 128, 256>}, {pipeline_mode = #tpu.pipeline_mode<synchronous>, transform_indices = @transform_8, window_bounds = array<i64: 128, 256>}, {pipeline_mode = #tpu.pipeline_mode<synchronous>, transform_indices = @transform_9, window_bounds = array<i64: 1, 256>}, {pipeline_mode = #tpu.pipeline_mode<synchronous>, transform_indices = @transform_10, window_bounds = array<i64: 256, 64>}, {pipeline_mode = #tpu.pipeline_mode<synchronous>, transform_indices = @transform_11, window_bounds = array<i64: 1, 64>}, {pipeline_mode = #tpu.pipeline_mode<synchronous>, transform_indices = @transform_12, window_bounds = array<i64: 64, 1>}, {pipeline_mode = #tpu.pipeline_mode<synchronous>, transform_indices = @transform_13, window_bounds = array<i64: 1, 1>}, {pipeline_mode = #tpu.pipeline_mode<synchronous>, transform_indices = @transform_14, window_bounds = array<i64: 17, 32>}, {pipeline_mode = #tpu.pipeline_mode<synchronous>, transform_indices = @transform_15, window_bounds = array<i64: 1, 32>}, {pipeline_mode = #tpu.pipeline_mode<synchronous>, transform_indices = @transform_16, window_bounds = array<i64: 128, 32>}, {pipeline_mode = #tpu.pipeline_mode<synchronous>, transform_indices = @transform_17, window_bounds = array<i64: 128, 32>}, {pipeline_mode = #tpu.pipeline_mode<synchronous>, transform_indices = @transform_18, window_bounds = array<i64: 128, 32>}, {pipeline_mode = #tpu.pipeline_mode<synchronous>, transform_indices = @transform_19, window_bounds = array<i64: 1, 32>}, {pipeline_mode = #tpu.pipeline_mode<synchronous>, transform_indices = @transform_20, window_bounds = array<i64: 32, 1>}, {pipeline_mode = #tpu.pipeline_mode<synchronous>, transform_indices = @transform_21, window_bounds = array<i64: 1, 1>}, {transform_indices = @transform_22, window_bounds = array<i64: 2000, 1>}, {pipeline_mode = #tpu.pipeline_mode<synchronous>, transform_indices = @transform_23, window_bounds = array<i64: 64, 1>}]} {
    %get3A = arith.constant 0 : index
    %get3A_0 = arith.constant 0 : index
    %get3A_1 = vector.load %arg1[%get3A, %get3A_0] : memref<2000x128xf32, #tpu.memory_space<vmem>>, vector<2000x128xf32>
    %get3A_2 = arith.constant 0 : index
    %get3A_3 = arith.constant 0 : index
    %get3A_4 = vector.load %arg2[%get3A_2, %get3A_3] : memref<2000x128xf32, #tpu.memory_space<vmem>>, vector<2000x128xf32>
    %get3A_5 = arith.constant 0 : index
    %get3A_6 = arith.constant 0 : index
    %get3A_7 = vector.load %arg3[%get3A_5, %get3A_6] : memref<2000x128xf32, #tpu.memory_space<vmem>>, vector<2000x128xf32>
    %get3A_8 = arith.constant 0 : index
    %get3A_9 = arith.constant 0 : index
    %get3A_10 = vector.load %arg7[%get3A_8, %get3A_9] : memref<128x256xf32, #tpu.memory_space<vmem>>, vector<128x256xf32>
    %dot_general3A = arith.constant dense<0.000000e+00> : vector<2000x256xf32>
    %dot_general3A_11 = tpu.matmul %get3A_1, %get3A_10, %dot_general3A {dimension_numbers = #tpu.dot_dimension_numbers<[1], [0], [0], [1], [0, 0, 1, 1], [], []>, transpose_lhs_hint = false} : vector<2000x128xf32>, vector<128x256xf32>, vector<2000x256xf32> -> vector<2000x256xf32>
    %get3A_12 = arith.constant 0 : index
    %get3A_13 = arith.constant 0 : index
    %get3A_14 = vector.load %arg8[%get3A_12, %get3A_13] : memref<128x256xf32, #tpu.memory_space<vmem>>, vector<128x256xf32>
    %dot_general3A_15 = arith.constant dense<0.000000e+00> : vector<2000x256xf32>
    %dot_general3A_16 = tpu.matmul %get3A_4, %get3A_14, %dot_general3A_15 {dimension_numbers = #tpu.dot_dimension_numbers<[1], [0], [0], [1], [0, 0, 1, 1], [], []>, transpose_lhs_hint = false} : vector<2000x128xf32>, vector<128x256xf32>, vector<2000x256xf32> -> vector<2000x256xf32>
    %add3A = arith.addf %dot_general3A_11, %dot_general3A_16 : vector<2000x256xf32>
    %get3A_17 = arith.constant 0 : index
    %get3A_18 = arith.constant 0 : index
    %get3A_19 = vector.load %arg9[%get3A_17, %get3A_18] : memref<128x256xf32, #tpu.memory_space<vmem>>, vector<128x256xf32>
    %dot_general3A_20 = arith.constant dense<0.000000e+00> : vector<2000x256xf32>
    %dot_general3A_21 = tpu.matmul %get3A_7, %get3A_19, %dot_general3A_20 {dimension_numbers = #tpu.dot_dimension_numbers<[1], [0], [0], [1], [0, 0, 1, 1], [], []>, transpose_lhs_hint = false} : vector<2000x128xf32>, vector<128x256xf32>, vector<2000x256xf32> -> vector<2000x256xf32>
    %add3A_22 = arith.addf %add3A, %dot_general3A_21 : vector<2000x256xf32>
    %get3A_23 = arith.constant 0 : index
    %get3A_24 = arith.constant 0 : index
    %get3A_25 = vector.load %arg10[%get3A_23, %get3A_24] : memref<1x256xf32, #tpu.memory_space<vmem>>, vector<1x256xf32>
    %add3A_26 = vector.broadcast %get3A_25 : vector<1x256xf32> to vector<2000x256xf32>
    %add3A_27 = arith.addf %add3A_22, %add3A_26 : vector<2000x256xf32>
    %max3A = arith.constant 0.000000e+00 : f32
    %max3A_28 = vector.broadcast %max3A : f32 to vector<2000x256xf32>
    %max3A_29 = arith.maximumf %add3A_27, %max3A_28 : vector<2000x256xf32>
    %get3A_30 = arith.constant 0 : index
    %get3A_31 = arith.constant 0 : index
    %get3A_32 = vector.load %arg11[%get3A_30, %get3A_31] : memref<256x64xf32, #tpu.memory_space<vmem>>, vector<256x64xf32>
    %dot_general3A_33 = arith.constant dense<0.000000e+00> : vector<2000x64xf32>
    %dot_general3A_34 = tpu.matmul %max3A_29, %get3A_32, %dot_general3A_33 {dimension_numbers = #tpu.dot_dimension_numbers<[1], [0], [0], [1], [0, 0, 1, 1], [], []>, transpose_lhs_hint = false} : vector<2000x256xf32>, vector<256x64xf32>, vector<2000x64xf32> -> vector<2000x64xf32>
    %get3A_35 = arith.constant 0 : index
    %get3A_36 = arith.constant 0 : index
    %get3A_37 = vector.load %arg12[%get3A_35, %get3A_36] : memref<1x64xf32, #tpu.memory_space<vmem>>, vector<1x64xf32>
    %add3A_38 = vector.broadcast %get3A_37 : vector<1x64xf32> to vector<2000x64xf32>
    %add3A_39 = arith.addf %dot_general3A_34, %add3A_38 : vector<2000x64xf32>
    %max3A_40 = arith.constant 0.000000e+00 : f32
    %max3A_41 = vector.broadcast %max3A_40 : f32 to vector<2000x64xf32>
    %max3A_42 = arith.maximumf %add3A_39, %max3A_41 : vector<2000x64xf32>
    %get3A_43 = arith.constant 0 : index
    %get3A_44 = arith.constant 0 : index
    %get3A_45 = vector.load %arg13[%get3A_43, %get3A_44] : memref<64x1xf32, #tpu.memory_space<vmem>>, vector<64x1xf32>
    %dot_general3A_46 = arith.constant dense<0.000000e+00> : vector<2000x1xf32>
    %dot_general3A_47 = tpu.matmul %max3A_42, %get3A_45, %dot_general3A_46 {dimension_numbers = #tpu.dot_dimension_numbers<[1], [0], [0], [1], [0, 0, 1, 1], [], []>, transpose_lhs_hint = false} : vector<2000x64xf32>, vector<64x1xf32>, vector<2000x1xf32> -> vector<2000x1xf32>
    %get3A_48 = arith.constant 0 : index
    %get3A_49 = arith.constant 0 : index
    %get3A_50 = vector.load %arg14[%get3A_48, %get3A_49] : memref<1x1xf32, #tpu.memory_space<vmem>>, vector<1x1xf32>
    %add3A_51 = vector.broadcast %get3A_50 : vector<1x1xf32> to vector<2000x1xf32>
    %add3A_52 = arith.addf %dot_general3A_47, %add3A_51 : vector<2000x1xf32>
    %swap3A = arith.constant 0 : index
    %swap3A_53 = arith.constant 0 : index
    %swap3A_54 = vector.load %arg23[%swap3A, %swap3A_53] : memref<2000x1xf32, #tpu.memory_space<vmem>>, vector<2000x1xf32>
    tpu.vector_store %arg23[%swap3A, %swap3A_53], %add3A_52 {strides = array<i32>} : memref<2000x1xf32, #tpu.memory_space<vmem>>, vector<2000x1xf32>,
    %get3A_55 = arith.constant 0 : index
    %get3A_56 = arith.constant 0 : index
    %get3A_57 = vector.load %arg4[%get3A_55, %get3A_56] : memref<2000x1xf32, #tpu.memory_space<vmem>>, vector<2000x1xf32>
    %mul3A = arith.mulf %add3A_52, %get3A_57 : vector<2000x1xf32>
    %get3A_58 = arith.constant 0 : index
    %get3A_59 = arith.constant 0 : index
    %get3A_60 = vector.load %arg5[%get3A_58, %get3A_59] : memref<2000x1xi32, #tpu.memory_space<vmem>>, vector<2000x1xi32>
    %iota3A = tpu.iota {dimensions = array<i32: 1>} : vector<2000x64xi32>
    %eq3A = vector.broadcast %get3A_60 : vector<2000x1xi32> to vector<2000x64xi32>
    %eq3A_61 = arith.cmpi eq, %eq3A, %iota3A : vector<2000x64xi32>
    %convert_element_type3A = arith.extui %eq3A_61 : vector<2000x64xi1> to vector<2000x64xi32>
    %convert_element_type3A_62 = arith.sitofp %convert_element_type3A : vector<2000x64xi32> to vector<2000x64xf32>
    %eq3A_63 = arith.constant 0 : i32
    %eq3A_64 = arith.cmpi eq, %arg0, %eq3A_63 : i32
    %convert_element_type3A_65 = arith.extui %eq3A_64 : i1 to i32
    %cond3A = arith.constant 0 : i32
    %cond3A_66 = arith.cmpi ne, %convert_element_type3A_65, %cond3A : i32
    scf.if %cond3A_66 {
      %broadcast_in_dim3A_116 = arith.constant 0.000000e+00 : f32
      %broadcast_in_dim3A_117 = vector.broadcast %broadcast_in_dim3A_116 : f32 to vector<64x128xf32>
      %swap3A_118 = arith.constant 0 : index
      %swap3A_119 = arith.constant 0 : index
      %swap3A_120 = vector.load %arg25[%swap3A_118, %swap3A_119] : memref<64x128xf32, #tpu.memory_space<vmem>>, vector<64x128xf32>
      tpu.vector_store %arg25[%swap3A_118, %swap3A_119], %broadcast_in_dim3A_117 {strides = array<i32>} : memref<64x128xf32, #tpu.memory_space<vmem>>, vector<64x128xf32>,
      %broadcast_in_dim3A_121 = arith.constant 0.000000e+00 : f32
      %broadcast_in_dim3A_122 = vector.broadcast %broadcast_in_dim3A_121 : f32 to vector<64x128xf32>
      %swap3A_123 = arith.constant 0 : index
      %swap3A_124 = arith.constant 0 : index
      %swap3A_125 = vector.load %arg26[%swap3A_123, %swap3A_124] : memref<64x128xf32, #tpu.memory_space<vmem>>, vector<64x128xf32>
      tpu.vector_store %arg26[%swap3A_123, %swap3A_124], %broadcast_in_dim3A_122 {strides = array<i32>} : memref<64x128xf32, #tpu.memory_space<vmem>>, vector<64x128xf32>,
      %broadcast_in_dim3A_126 = arith.constant 0.000000e+00 : f32
      %broadcast_in_dim3A_127 = vector.broadcast %broadcast_in_dim3A_126 : f32 to vector<64x128xf32>
      %swap3A_128 = arith.constant 0 : index
      %swap3A_129 = arith.constant 0 : index
      %swap3A_130 = vector.load %arg27[%swap3A_128, %swap3A_129] : memref<64x128xf32, #tpu.memory_space<vmem>>, vector<64x128xf32>
      tpu.vector_store %arg27[%swap3A_128, %swap3A_129], %broadcast_in_dim3A_127 {strides = array<i32>} : memref<64x128xf32, #tpu.memory_space<vmem>>, vector<64x128xf32>,
      %broadcast_in_dim3A_131 = arith.constant 0.000000e+00 : f32
      %broadcast_in_dim3A_132 = vector.broadcast %broadcast_in_dim3A_131 : f32 to vector<64x1xf32>
      %swap3A_133 = arith.constant 0 : index
      %swap3A_134 = arith.constant 0 : index
      %swap3A_135 = vector.load %arg28[%swap3A_133, %swap3A_134] : memref<64x1xf32, #tpu.memory_space<vmem>>, vector<64x1xf32>
      tpu.vector_store %arg28[%swap3A_133, %swap3A_134], %broadcast_in_dim3A_132 {strides = array<i32>} : memref<64x1xf32, #tpu.memory_space<vmem>>, vector<64x1xf32>,
      %broadcast_in_dim3A_136 = arith.constant 0.000000e+00 : f32
      %broadcast_in_dim3A_137 = vector.broadcast %broadcast_in_dim3A_136 : f32 to vector<64x1xf32>
      %swap3A_138 = arith.constant 0 : index
      %swap3A_139 = arith.constant 0 : index
      %swap3A_140 = vector.load %arg29[%swap3A_138, %swap3A_139] : memref<64x1xf32, #tpu.memory_space<vmem>>, vector<64x1xf32>
      tpu.vector_store %arg29[%swap3A_138, %swap3A_139], %broadcast_in_dim3A_137 {strides = array<i32>} : memref<64x1xf32, #tpu.memory_space<vmem>>, vector<64x1xf32>,
    } else {
    }
    %get3A_67 = arith.constant 0 : index
    %get3A_68 = arith.constant 0 : index
    %get3A_69 = vector.load %arg25[%get3A_67, %get3A_68] : memref<64x128xf32, #tpu.memory_space<vmem>>, vector<64x128xf32>
    %dot_general3A_70 = arith.constant dense<0.000000e+00> : vector<64x128xf32>
    %dot_general3A_71 = tpu.matmul %convert_element_type3A_62, %get3A_1, %dot_general3A_70 {dimension_numbers = #tpu.dot_dimension_numbers<[0], [0], [1], [1], [0, 1, 1, 1], [], []>, transpose_lhs_hint = false} : vector<2000x64xf32>, vector<2000x128xf32>, vector<64x128xf32> -> vector<64x128xf32>
    %add3A_72 = arith.addf %get3A_69, %dot_general3A_71 : vector<64x128xf32>
    %swap3A_73 = arith.constant 0 : index
    %swap3A_74 = arith.constant 0 : index
    %swap3A_75 = vector.load %arg25[%swap3A_73, %swap3A_74] : memref<64x128xf32, #tpu.memory_space<vmem>>, vector<64x128xf32>
    tpu.vector_store %arg25[%swap3A_73, %swap3A_74], %add3A_72 {strides = array<i32>} : memref<64x128xf32, #tpu.memory_space<vmem>>, vector<64x128xf32>,
    %get3A_76 = arith.constant 0 : index
    %get3A_77 = arith.constant 0 : index
    %get3A_78 = vector.load %arg26[%get3A_76, %get3A_77] : memref<64x128xf32, #tpu.memory_space<vmem>>, vector<64x128xf32>
    %dot_general3A_79 = arith.constant dense<0.000000e+00> : vector<64x128xf32>
    %dot_general3A_80 = tpu.matmul %convert_element_type3A_62, %get3A_4, %dot_general3A_79 {dimension_numbers = #tpu.dot_dimension_numbers<[0], [0], [1], [1], [0, 1, 1, 1], [], []>, transpose_lhs_hint = false} : vector<2000x64xf32>, vector<2000x128xf32>, vector<64x128xf32> -> vector<64x128xf32>
    %add3A_81 = arith.addf %get3A_78, %dot_general3A_80 : vector<64x128xf32>
    %swap3A_82 = arith.constant 0 : index
    %swap3A_83 = arith.constant 0 : index
    %swap3A_84 = vector.load %arg26[%swap3A_82, %swap3A_83] : memref<64x128xf32, #tpu.memory_space<vmem>>, vector<64x128xf32>
    tpu.vector_store %arg26[%swap3A_82, %swap3A_83], %add3A_81 {strides = array<i32>} : memref<64x128xf32, #tpu.memory_space<vmem>>, vector<64x128xf32>,
    %get3A_85 = arith.constant 0 : index
    %get3A_86 = arith.constant 0 : index
    %get3A_87 = vector.load %arg27[%get3A_85, %get3A_86] : memref<64x128xf32, #tpu.memory_space<vmem>>, vector<64x128xf32>
    %dot_general3A_88 = arith.constant dense<0.000000e+00> : vector<64x128xf32>
    %dot_general3A_89 = tpu.matmul %convert_element_type3A_62, %get3A_7, %dot_general3A_88 {dimension_numbers = #tpu.dot_dimension_numbers<[0], [0], [1], [1], [0, 1, 1, 1], [], []>, transpose_lhs_hint = false} : vector<2000x64xf32>, vector<2000x128xf32>, vector<64x128xf32> -> vector<64x128xf32>
    %add3A_90 = arith.addf %get3A_87, %dot_general3A_89 : vector<64x128xf32>
    %swap3A_91 = arith.constant 0 : index
    %swap3A_92 = arith.constant 0 : index
    %swap3A_93 = vector.load %arg27[%swap3A_91, %swap3A_92] : memref<64x128xf32, #tpu.memory_space<vmem>>, vector<64x128xf32>
    tpu.vector_store %arg27[%swap3A_91, %swap3A_92], %add3A_90 {strides = array<i32>} : memref<64x128xf32, #tpu.memory_space<vmem>>, vector<64x128xf32>,
    %get3A_94 = arith.constant 0 : index
    %get3A_95 = arith.constant 0 : index
    %get3A_96 = vector.load %arg28[%get3A_94, %get3A_95] : memref<64x1xf32, #tpu.memory_space<vmem>>, vector<64x1xf32>
    %dot_general3A_97 = arith.constant dense<0.000000e+00> : vector<64x1xf32>
    %dot_general3A_98 = tpu.matmul %convert_element_type3A_62, %mul3A, %dot_general3A_97 {dimension_numbers = #tpu.dot_dimension_numbers<[0], [0], [1], [1], [0, 1, 1, 1], [], []>, transpose_lhs_hint = false} : vector<2000x64xf32>, vector<2000x1xf32>, vector<64x1xf32> -> vector<64x1xf32>
    %add3A_99 = arith.addf %get3A_96, %dot_general3A_98 : vector<64x1xf32>
    %swap3A_100 = arith.constant 0 : index
    %swap3A_101 = arith.constant 0 : index
    %swap3A_102 = vector.load %arg28[%swap3A_100, %swap3A_101] : memref<64x1xf32, #tpu.memory_space<vmem>>, vector<64x1xf32>
    tpu.vector_store %arg28[%swap3A_100, %swap3A_101], %add3A_99 {strides = array<i32>} : memref<64x1xf32, #tpu.memory_space<vmem>>, vector<64x1xf32>,
    %get3A_103 = arith.constant 0 : index
    %get3A_104 = arith.constant 0 : index
    %get3A_105 = vector.load %arg29[%get3A_103, %get3A_104] : memref<64x1xf32, #tpu.memory_space<vmem>>, vector<64x1xf32>
    %reduce_sum3A = arith.constant dense<0.000000e+00> : vector<64xf32>
    %reduce_sum3A_106 = vector.multi_reduction <add>, %convert_element_type3A_62, %reduce_sum3A [0] : vector<2000x64xf32> to vector<64xf32>
    %broadcast_in_dim3A = vector.shape_cast %reduce_sum3A_106 : vector<64xf32> to vector<64x1xf32>
    %add3A_107 = arith.addf %get3A_105, %broadcast_in_dim3A : vector<64x1xf32>
    %swap3A_108 = arith.constant 0 : index
    %swap3A_109 = arith.constant 0 : index
    %swap3A_110 = vector.load %arg29[%swap3A_108, %swap3A_109] : memref<64x1xf32, #tpu.memory_space<vmem>>, vector<64x1xf32>
    tpu.vector_store %arg29[%swap3A_108, %swap3A_109], %add3A_107 {strides = array<i32>} : memref<64x1xf32, #tpu.memory_space<vmem>>, vector<64x1xf32>,
    %eq3A_111 = arith.constant 4 : i32
    %eq3A_112 = arith.cmpi eq, %arg0, %eq3A_111 : i32
    %convert_element_type3A_113 = arith.extui %eq3A_112 : i1 to i32
    %cond3A_114 = arith.constant 0 : i32
    %cond3A_115 = arith.cmpi ne, %convert_element_type3A_113, %cond3A_114 : i32
    scf.if %cond3A_115 {
      %get3A_116 = arith.constant 0 : index
      %get3A_117 = arith.constant 0 : index
      %get3A_118 = vector.load %arg29[%get3A_116, %get3A_117] : memref<64x1xf32, #tpu.memory_space<vmem>>, vector<64x1xf32>
      %max3A_119 = arith.constant 1.000000e+00 : f32
      %max3A_120 = vector.broadcast %max3A_119 : f32 to vector<64x1xf32>
      %max3A_121 = arith.maximumf %get3A_118, %max3A_120 : vector<64x1xf32>
      %div3A = arith.constant 1.000000e+00 : f32
      %div3A_122 = vector.broadcast %div3A : f32 to vector<64x1xf32>
      %div3A_123 = arith.divf %div3A_122, %max3A_121 : vector<64x1xf32>
      %get3A_124 = arith.constant 0 : index
      %get3A_125 = arith.constant 0 : index
      %get3A_126 = vector.load %arg28[%get3A_124, %get3A_125] : memref<64x1xf32, #tpu.memory_space<vmem>>, vector<64x1xf32>
      %mul3A_127 = arith.mulf %get3A_126, %div3A_123 : vector<64x1xf32>
      %get3A_128 = arith.constant 0 : index
      %get3A_129 = arith.constant 0 : index
      %get3A_130 = vector.load %arg6[%get3A_128, %get3A_129] : memref<64x17xf32, #tpu.memory_space<vmem>>, vector<64x17xf32>
      %get3A_131 = arith.constant 0 : index
      %get3A_132 = arith.constant 0 : index
      %get3A_133 = vector.load %arg15[%get3A_131, %get3A_132] : memref<17x32xf32, #tpu.memory_space<vmem>>, vector<17x32xf32>
      %dot_general3A_134 = arith.constant dense<0.000000e+00> : vector<64x32xf32>
      %dot_general3A_135 = tpu.matmul %get3A_130, %get3A_133, %dot_general3A_134 {dimension_numbers = #tpu.dot_dimension_numbers<[1], [0], [0], [1], [0, 0, 1, 1], [], []>, transpose_lhs_hint = false} : vector<64x17xf32>, vector<17x32xf32>, vector<64x32xf32> -> vector<64x32xf32>
      %get3A_136 = arith.constant 0 : index
      %get3A_137 = arith.constant 0 : index
      %get3A_138 = vector.load %arg16[%get3A_136, %get3A_137] : memref<1x32xf32, #tpu.memory_space<vmem>>, vector<1x32xf32>
      %dot_general3A_139 = arith.constant dense<0.000000e+00> : vector<64x32xf32>
      %dot_general3A_140 = tpu.matmul %mul3A_127, %get3A_138, %dot_general3A_139 {dimension_numbers = #tpu.dot_dimension_numbers<[1], [0], [0], [1], [0, 0, 1, 1], [], []>, transpose_lhs_hint = false} : vector<64x1xf32>, vector<1x32xf32>, vector<64x32xf32> -> vector<64x32xf32>
      %add3A_141 = arith.addf %dot_general3A_135, %dot_general3A_140 : vector<64x32xf32>
      %get3A_142 = arith.constant 0 : index
      %get3A_143 = arith.constant 0 : index
      %get3A_144 = vector.load %arg25[%get3A_142, %get3A_143] : memref<64x128xf32, #tpu.memory_space<vmem>>, vector<64x128xf32>
      %mul3A_145 = vector.broadcast %div3A_123 : vector<64x1xf32> to vector<64x128xf32>
      %mul3A_146 = arith.mulf %get3A_144, %mul3A_145 : vector<64x128xf32>
      %get3A_147 = arith.constant 0 : index
      %get3A_148 = arith.constant 0 : index
      %get3A_149 = vector.load %arg17[%get3A_147, %get3A_148] : memref<128x32xf32, #tpu.memory_space<vmem>>, vector<128x32xf32>
      %dot_general3A_150 = arith.constant dense<0.000000e+00> : vector<64x32xf32>
      %dot_general3A_151 = tpu.matmul %mul3A_146, %get3A_149, %dot_general3A_150 {dimension_numbers = #tpu.dot_dimension_numbers<[1], [0], [0], [1], [0, 0, 1, 1], [], []>, transpose_lhs_hint = false} : vector<64x128xf32>, vector<128x32xf32>, vector<64x32xf32> -> vector<64x32xf32>
      %add3A_152 = arith.addf %add3A_141, %dot_general3A_151 : vector<64x32xf32>
      %get3A_153 = arith.constant 0 : index
      %get3A_154 = arith.constant 0 : index
      %get3A_155 = vector.load %arg26[%get3A_153, %get3A_154] : memref<64x128xf32, #tpu.memory_space<vmem>>, vector<64x128xf32>
      %mul3A_156 = vector.broadcast %div3A_123 : vector<64x1xf32> to vector<64x128xf32>
      %mul3A_157 = arith.mulf %get3A_155, %mul3A_156 : vector<64x128xf32>
      %get3A_158 = arith.constant 0 : index
      %get3A_159 = arith.constant 0 : index
      %get3A_160 = vector.load %arg18[%get3A_158, %get3A_159] : memref<128x32xf32, #tpu.memory_space<vmem>>, vector<128x32xf32>
      %dot_general3A_161 = arith.constant dense<0.000000e+00> : vector<64x32xf32>
      %dot_general3A_162 = tpu.matmul %mul3A_157, %get3A_160, %dot_general3A_161 {dimension_numbers = #tpu.dot_dimension_numbers<[1], [0], [0], [1], [0, 0, 1, 1], [], []>, transpose_lhs_hint = false} : vector<64x128xf32>, vector<128x32xf32>, vector<64x32xf32> -> vector<64x32xf32>
      %add3A_163 = arith.addf %add3A_152, %dot_general3A_162 : vector<64x32xf32>
      %get3A_164 = arith.constant 0 : index
      %get3A_165 = arith.constant 0 : index
      %get3A_166 = vector.load %arg27[%get3A_164, %get3A_165] : memref<64x128xf32, #tpu.memory_space<vmem>>, vector<64x128xf32>
      %mul3A_167 = vector.broadcast %div3A_123 : vector<64x1xf32> to vector<64x128xf32>
      %mul3A_168 = arith.mulf %get3A_166, %mul3A_167 : vector<64x128xf32>
      %get3A_169 = arith.constant 0 : index
      %get3A_170 = arith.constant 0 : index
      %get3A_171 = vector.load %arg19[%get3A_169, %get3A_170] : memref<128x32xf32, #tpu.memory_space<vmem>>, vector<128x32xf32>
      %dot_general3A_172 = arith.constant dense<0.000000e+00> : vector<64x32xf32>
      %dot_general3A_173 = tpu.matmul %mul3A_168, %get3A_171, %dot_general3A_172 {dimension_numbers = #tpu.dot_dimension_numbers<[1], [0], [0], [1], [0, 0, 1, 1], [], []>, transpose_lhs_hint = false} : vector<64x128xf32>, vector<128x32xf32>, vector<64x32xf32> -> vector<64x32xf32>
      %add3A_174 = arith.addf %add3A_163, %dot_general3A_173 : vector<64x32xf32>
      %get3A_175 = arith.constant 0 : index
      %get3A_176 = arith.constant 0 : index
      %get3A_177 = vector.load %arg20[%get3A_175, %get3A_176] : memref<1x32xf32, #tpu.memory_space<vmem>>, vector<1x32xf32>
      %add3A_178 = vector.broadcast %get3A_177 : vector<1x32xf32> to vector<64x32xf32>
      %add3A_179 = arith.addf %add3A_174, %add3A_178 : vector<64x32xf32>
      %max3A_180 = arith.constant 0.000000e+00 : f32
      %max3A_181 = vector.broadcast %max3A_180 : f32 to vector<64x32xf32>
      %max3A_182 = arith.maximumf %add3A_179, %max3A_181 : vector<64x32xf32>
      %get3A_183 = arith.constant 0 : index
      %get3A_184 = arith.constant 0 : index
      %get3A_185 = vector.load %arg21[%get3A_183, %get3A_184] : memref<32x1xf32, #tpu.memory_space<vmem>>, vector<32x1xf32>
      %dot_general3A_186 = arith.constant dense<0.000000e+00> : vector<64x1xf32>
      %dot_general3A_187 = tpu.matmul %max3A_182, %get3A_185, %dot_general3A_186 {dimension_numbers = #tpu.dot_dimension_numbers<[1], [0], [0], [1], [0, 0, 1, 1], [], []>, transpose_lhs_hint = false} : vector<64x32xf32>, vector<32x1xf32>, vector<64x1xf32> -> vector<64x1xf32>
      %get3A_188 = arith.constant 0 : index
      %get3A_189 = arith.constant 0 : index
      %get3A_190 = vector.load %arg22[%get3A_188, %get3A_189] : memref<1x1xf32, #tpu.memory_space<vmem>>, vector<1x1xf32>
      %add3A_191 = vector.broadcast %get3A_190 : vector<1x1xf32> to vector<64x1xf32>
      %add3A_192 = arith.addf %dot_general3A_187, %add3A_191 : vector<64x1xf32>
      %swap3A_193 = arith.constant 0 : index
      %swap3A_194 = arith.constant 0 : index
      %swap3A_195 = vector.load %arg24[%swap3A_193, %swap3A_194] : memref<64x1xf32, #tpu.memory_space<vmem>>, vector<64x1xf32>
      tpu.vector_store %arg24[%swap3A_193, %swap3A_194], %add3A_192 {strides = array<i32>} : memref<64x1xf32, #tpu.memory_space<vmem>>, vector<64x1xf32>,
    } else {
    }
    return
  }
  func.func @transform_0(%arg0: i32) -> (i32, i32) {
    %c0_i32 = arith.constant 0 : i32
    %c0_i32_0 = arith.constant 0 : i32
    return %arg0, %c0_i32 : i32, i32
  }
  func.func @transform_1(%arg0: i32) -> (i32, i32) {
    %c0_i32 = arith.constant 0 : i32
    %c0_i32_0 = arith.constant 0 : i32
    return %arg0, %c0_i32 : i32, i32
  }
  func.func @transform_2(%arg0: i32) -> (i32, i32) {
    %c0_i32 = arith.constant 0 : i32
    %c0_i32_0 = arith.constant 0 : i32
    return %arg0, %c0_i32 : i32, i32
  }
  func.func @transform_3(%arg0: i32) -> (i32, i32) {
    %c0_i32 = arith.constant 0 : i32
    %c0_i32_0 = arith.constant 0 : i32
    return %arg0, %c0_i32 : i32, i32
  }
  func.func @transform_4(%arg0: i32) -> (i32, i32) {
    %c0_i32 = arith.constant 0 : i32
    %c0_i32_0 = arith.constant 0 : i32
    return %arg0, %c0_i32 : i32, i32
  }
  func.func @transform_5(%arg0: i32) -> (i32, i32) {
    %c0_i32 = arith.constant 0 : i32
    %c0_i32_0 = arith.constant 0 : i32
    %c0_i32_1 = arith.constant 0 : i32
    return %c0_i32, %c0_i32_0 : i32, i32
  }
  func.func @transform_6(%arg0: i32) -> (i32, i32) {
    %c0_i32 = arith.constant 0 : i32
    %c0_i32_0 = arith.constant 0 : i32
    %c0_i32_1 = arith.constant 0 : i32
    return %c0_i32, %c0_i32_0 : i32, i32
  }
  func.func @transform_7(%arg0: i32) -> (i32, i32) {
    %c0_i32 = arith.constant 0 : i32
    %c0_i32_0 = arith.constant 0 : i32
    %c0_i32_1 = arith.constant 0 : i32
    return %c0_i32, %c0_i32_0 : i32, i32
  }
  func.func @transform_8(%arg0: i32) -> (i32, i32) {
    %c0_i32 = arith.constant 0 : i32
    %c0_i32_0 = arith.constant 0 : i32
    %c0_i32_1 = arith.constant 0 : i32
    return %c0_i32, %c0_i32_0 : i32, i32
  }
  func.func @transform_9(%arg0: i32) -> (i32, i32) {
    %c0_i32 = arith.constant 0 : i32
    %c0_i32_0 = arith.constant 0 : i32
    %c0_i32_1 = arith.constant 0 : i32
    return %c0_i32, %c0_i32_0 : i32, i32
  }
  func.func @transform_10(%arg0: i32) -> (i32, i32) {
    %c0_i32 = arith.constant 0 : i32
    %c0_i32_0 = arith.constant 0 : i32
    %c0_i32_1 = arith.constant 0 : i32
    return %c0_i32, %c0_i32_0 : i32, i32
  }
  func.func @transform_11(%arg0: i32) -> (i32, i32) {
    %c0_i32 = arith.constant 0 : i32
    %c0_i32_0 = arith.constant 0 : i32
    %c0_i32_1 = arith.constant 0 : i32
    return %c0_i32, %c0_i32_0 : i32, i32
  }
  func.func @transform_12(%arg0: i32) -> (i32, i32) {
    %c0_i32 = arith.constant 0 : i32
    %c0_i32_0 = arith.constant 0 : i32
    %c0_i32_1 = arith.constant 0 : i32
    return %c0_i32, %c0_i32_0 : i32, i32
  }
  func.func @transform_13(%arg0: i32) -> (i32, i32) {
    %c0_i32 = arith.constant 0 : i32
    %c0_i32_0 = arith.constant 0 : i32
    %c0_i32_1 = arith.constant 0 : i32
    return %c0_i32, %c0_i32_0 : i32, i32
  }
  func.func @transform_14(%arg0: i32) -> (i32, i32) {
    %c0_i32 = arith.constant 0 : i32
    %c0_i32_0 = arith.constant 0 : i32
    %c0_i32_1 = arith.constant 0 : i32
    return %c0_i32, %c0_i32_0 : i32, i32
  }
  func.func @transform_15(%arg0: i32) -> (i32, i32) {
    %c0_i32 = arith.constant 0 : i32
    %c0_i32_0 = arith.constant 0 : i32
    %c0_i32_1 = arith.constant 0 : i32
    return %c0_i32, %c0_i32_0 : i32, i32
  }
  func.func @transform_16(%arg0: i32) -> (i32, i32) {
    %c0_i32 = arith.constant 0 : i32
    %c0_i32_0 = arith.constant 0 : i32
    %c0_i32_1 = arith.constant 0 : i32
    return %c0_i32, %c0_i32_0 : i32, i32
  }
  func.func @transform_17(%arg0: i32) -> (i32, i32) {
    %c0_i32 = arith.constant 0 : i32
    %c0_i32_0 = arith.constant 0 : i32
    %c0_i32_1 = arith.constant 0 : i32
    return %c0_i32, %c0_i32_0 : i32, i32
  }
  func.func @transform_18(%arg0: i32) -> (i32, i32) {
    %c0_i32 = arith.constant 0 : i32
    %c0_i32_0 = arith.constant 0 : i32
    %c0_i32_1 = arith.constant 0 : i32
    return %c0_i32, %c0_i32_0 : i32, i32
  }
  func.func @transform_19(%arg0: i32) -> (i32, i32) {
    %c0_i32 = arith.constant 0 : i32
    %c0_i32_0 = arith.constant 0 : i32
    %c0_i32_1 = arith.constant 0 : i32
    return %c0_i32, %c0_i32_0 : i32, i32
  }
  func.func @transform_20(%arg0: i32) -> (i32, i32) {
    %c0_i32 = arith.constant 0 : i32
    %c0_i32_0 = arith.constant 0 : i32
    %c0_i32_1 = arith.constant 0 : i32
    return %c0_i32, %c0_i32_0 : i32, i32
  }
  func.func @transform_21(%arg0: i32) -> (i32, i32) {
    %c0_i32 = arith.constant 0 : i32
    %c0_i32_0 = arith.constant 0 : i32
    %c0_i32_1 = arith.constant 0 : i32
    return %c0_i32, %c0_i32_0 : i32, i32
  }
  func.func @transform_22(%arg0: i32) -> (i32, i32) {
    %c0_i32 = arith.constant 0 : i32
    %c0_i32_0 = arith.constant 0 : i32
    return %arg0, %c0_i32 : i32, i32
  }
  func.func @transform_23(%arg0: i32) -> (i32, i32) {
    %c0_i32 = arith.constant 0 : i32
    %c0_i32_0 = arith.constant 0 : i32
    %c0_i32_1 = arith.constant 0 : i32
    return %c0_i32, %c0_i32_0 : i32, i32
  }
}

</mosaic_0001>

<sc_bundles>
// kernel: kernel.12.cloned.1.call-start
scs
__scs_entry_jumppad:
0x0: {  	(pc) =	sbr.rel $0x88, $3  }
0x1: {  	(tag) =	ssettag $0x0;
	lr =	simm.s32 $0x1  }
0x2: {  	[smem:$0x3F84] =	sst lr;
	_ =	strace $0xD0000000  }
0x3: {  	_ = 	snop  }
0x4: {  	_ = 	snop  }
0x5: {  	_ = 	snop  }
0x6: {  	_ = 	snop  }
0x7: {  	_ = 	snop  }
__scs_overlays_trampoline_lowered:
0x8: {  	[smem:$0x3F93] =	sst s0  }
0x9: {  	[smem:$0x3F94] =	sst s1  }
0xa: {  	[smem:$0x3F95] =	sst s2  }
0xb: {  	[smem:$0x3F96] =	sst s3  }
0xc: {  	[smem:$0x3F97] =	sst s4  }
0xd: {  	[smem:$0x3F98] =	sst s5  }
0xe: {  	[smem:$0x3F99] =	sst s6  }
0xf: {  	[smem:$0x3F9A] =	sst s7  }
0x10: {  	[smem:$0x3F9B] =	sst s8  }
0x11: {  	[smem:$0x3F9C] =	sst s9;
	s0 =	simm.s32 @!p0 $0x0  }
0x12: {  	s1 =	sld [smem:$0x3F82];
	s0 =	simm.s32 @p0 $0x1  }
0x13: {  	[smem:$0x3F9D] =	sst s0;
	s0 =	simm.s32 @!p1 $0x0  }
0x14: {  	s2 =	sld [smem:$0x3F81];
	s0 =	simm.s32 @p1 $0x1  }
0x15: {  	[smem:$0x3F9E] =	sst s0;
	s0 =	simm.s32 @!p2 $0x0  }
0x16: {  	s3 =	sld [smem:$0x3FDB];
	s0 =	simm.s32 @p2 $0x1  }
0x17: {  	s4 =	simm.s32 $0x1BF5;
	[smem:$0x3FA0] =	sst s0  }
0x18: {  	s0 =	sld [smem:$0x3F83];
	_ =	swait.ge [sflag:s4], $0x0  }
0x19: {  	s7 =	sld [smem:$0x3F84]  }
0x1a: {  	s8 =	sadd.s32 $0xFFFFE003, lr  }
0x1b: {  	s9 =	sadd.s32 $0xFFFFFEF7, lr;
	s5 =	simm.s32 $0xFFFFFFFF;
	p2 =	slt.u32 s8, $0xFFFFF086  }
0x1c: {  	p1 =	slt.u32 s9, $0xF7A;
	s5 =	simm.s32 @!p2 $0x0  }
0x1d: {  	s5 =	simm.s32 @p1 $0x1;
	p0 =	seq.s32 s7, s2  }
0x1e: {  	s7 =	smul.u32 @!p0 $0xF7A, s2;
	p2 =	seq.s32 @!p0 s5, $0x0  }
0x1f: {  	s9 =	smul.u32 $0xF7A, s1;
	s8 =	simm.s32 @!p0 $0x1BF5;
	p2 =	por !p2, p0  }
0x20: {  	[sflag:s8] =	ssyncset.s32 @!p0 $0xFFFFF086;
	s6 =	sadd.s32 @!p0 s3, s7;
	s7 =	simm.s32 @!p0 $0x108  }
0x21: {  	s3 =	sadd.s32 s3, s9;
	s6 =	sadd.s32 @!p0 $0x88, s6;
	s7 =	simm.s32 @p2 $0x1082  }
0x22: {  	[simem:s7], [sflag:s8] =	dma.local @!p0 [hbm:s6], $0xF7A  }
0x23: {  	s9 =	sor.u32 $0xD0000000, s2;
	s6 =	simm.s32 $0x108;
	_ =	swait.ge @!p0 [sflag:s8], $0x0  }
0x24: {  	s3 =	sadd.s32 $0x88, s3;
	s6 =	simm.s32 @!p1 $0x1082;
	[sflag:s4] =	ssyncset.s32 $0xFFFFF086  }
0x25: {  	[simem:s6], [sflag:s4] =	dma.local [hbm:s3], $0xF7A  }
0x26: {  	[smem:$0x3F84] =	sst s1;
	(tag) =	ssettag s2;
	_ =	strace s9  }
0x27: {  	s1 =	sld [smem:$0x3F94]  }
0x28: {  	s2 =	sld [smem:$0x3F95]  }
0x29: {  	s4 =	sld [smem:$0x3F97]  }
0x2a: {  	p0 =	seq.s32 s5, $0x0;
	s5 =	sld [smem:$0x3F98]  }
0x2b: {  	s6 =	sld [smem:$0x3F99]  }
0x2c: {  	s7 =	sld [smem:$0x3F9A]  }
0x2d: {  	s3 =	simm.s32 $0x108;
	s8 =	sld [smem:$0x3F9B]  }
0x2e: {  	s3 =	simm.s32 @!p0 $0x1082;
	s9 =	sld [smem:$0x3F9C]  }
0x2f: {  	lr =	sadd.s32 s0, s3;
	s0 =	sld [smem:$0x3F93]  }
0x30: {  	s3 =	sld [smem:$0x3F96]  }
0x31: {  	[smem:$0x3F9F] =	sst s10  }
0x32: {  	s10 =	sld [smem:$0x3F9D];
	_ =	sdelay $0x3  }
0x33: {  	p0 =	seq.s32 s10, $0x1;
	s10 =	sld [smem:$0x3F9F];
	_ =	sdelay $0x3  }
0x34: {  	[smem:$0x3F9F] =	sst s10  }
0x35: {  	s10 =	sld [smem:$0x3F9E];
	_ =	sdelay $0x3  }
0x36: {  	p1 =	seq.s32 s10, $0x1;
	s10 =	sld [smem:$0x3F9F];
	_ =	sdelay $0x3  }
0x37: {  	[smem:$0x3F9F] =	sst s10  }
0x38: {  	s10 =	sld [smem:$0x3FA0]  }
0x39: {  	_ = 	snop;
	(pc) =	sbr.ind lr, $3  }
0x3a: {  	_ = 	snop  }
0x3b: {  	_ = 	snop  }
0x3c: {  	p2 =	seq.s32 s10, $0x1;
	s10 =	sld [smem:$0x3F9F]  }
0x3d: {  	_ =	shalt  }
0x3e: {  	_ =	shalt  }
0x3f: {  	_ =	shalt  }
0x40: {  	_ =	shalt  }
0x41: {  	_ =	shalt  }
0x42: {  	_ =	shalt  }
0x43: {  	_ =	shalt  }
0x44: {  	_ =	shalt  }
0x45: {  	_ =	shalt  }
0x46: {  	_ =	shalt  }
0x47: {  	_ =	shalt  }
0x48: {  	_ =	shalt  }
0x49: {  	_ =	shalt  }
0x4a: {  	_ =	shalt  }
0x4b: {  	_ =	shalt  }
0x4c: {  	_ =	shalt  }
0x4d: {  	_ =	shalt  }
0x4e: {  	_ =	shalt  }
0x4f: {  	_ =	shalt  }
0x50: {  	_ =	shalt  }
0x51: {  	_ =	shalt  }
0x52: {  	_ =	shalt  }
0x53: {  	_ =	shalt  }
0x54: {  	_ =	shalt  }
0x55: {  	_ =	shalt  }
0x56: {  	_ =	shalt  }
0x57: {  	_ =	shalt  }
0x58: {  	_ =	shalt  }
0x59: {  	_ =	shalt  }
0x5a: {  	_ =	shalt  }
0x5b: {  	_ =	shalt  }
0x5c: {  	_ =	shalt  }
0x5d: {  	_ =	shalt  }
0x5e: {  	_ =	shalt  }
0x5f: {  	_ =	shalt  }
0x60: {  	_ =	shalt  }
0x61: {  	_ =	shalt  }
0x62: {  	_ =	shalt  }
0x63: {  	_ =	shalt  }
0x64: {  	_ =	shalt  }
0x65: {  	_ =	shalt  }
0x66: {  	_ =	shalt  }
0x67: {  	_ =	shalt  }
0x68: {  	_ =	shalt  }
0x69: {  	_ =	shalt  }
0x6a: {  	_ =	shalt  }
0x6b: {  	_ =	shalt  }
0x6c: {  	_ =	shalt  }
0x6d: {  	_ =	shalt  }
0x6e: {  	_ =	shalt  }
0x6f: {  	_ =	shalt  }
0x70: {  	_ =	shalt  }
0x71: {  	_ =	shalt  }
0x72: {  	_ =	shalt  }
0x73: {  	_ =	shalt  }
0x74: {  	_ =	shalt  }
0x75: {  	_ =	shalt  }
0x76: {  	_ =	shalt  }
0x77: {  	_ =	shalt  }
0x78: {  	_ =	shalt  }
0x79: {  	_ =	shalt  }
0x7a: {  	_ =	shalt  }
0x7b: {  	_ =	shalt  }
0x7c: {  	_ =	shalt  }
0x7d: {  	_ =	shalt  }
0x7e: {  	_ =	shalt  }
0x7f: {  	_ =	shalt  }
0x80: {  	_ =	shalt  }
0x81: {  	_ =	shalt  }
0x82: {  	_ =	shalt  }
0x83: {  	_ =	shalt  }
0x84: {  	_ =	shalt  }
0x85: {  	_ =	shalt  }
0x86: {  	_ =	shalt  }
0x87: {  	_ =	shalt  }
.Lfunc_end0:
.L_simem_size_0:
called_computation.1_lowered:
.L_overlay_start_0:
0x88: {  	s2 =	sld [smem:$0x3FD9]  }
0x89: {  	s3 =	sld [smem:$0x3FFE];
	_ =	sdelay $0x1  }
0x8a: {  	s1 =	srdreg.scid  }
0x8b: {  	s0 =	sand.u32 $0x1, s1  }
0x8c: {  	s16 =	sshll.u32 s0, $0xA;
	s2 =	sadd.s32 s3, s2  }
0x8d: {  	s2 =	sadd.s32 s2, s16  }
0x8e: {  	[smem:$0x3FAB] =	sst s2  }
0x8f: {  	_ = 	snop  }
0x90: {  	(tm) =	ssettm $0x1  }
0x91: {  	s17 =	sld [smem:$0x3FFB];
	_ =	sdelay $0x3  }
0x92: {  	_ =	strace s17  }
0x93: {  	s2 =	sld [smem:$0x3FFC];
	_ =	sdelay $0x3  }
0x94: {  	_ =	strace s2  }
0x95: {  	s2 =	sld [smem:$0x3FFD];
	_ =	sdelay $0x3  }
0x96: {  	_ =	strace s2  }
0x97: {  	_ =	strace $0x8FFFFFFF  }
0x98: {  	s18 =	sld [smem:$0x3FDB];
	_ =	sdelay $0x1  }
0x99: {  	s19 =	simm.s32 $_scs_section_size  }
0x9a: {  	s4 =	simm.s32 $_size__tile_overlayer_lowered;
	s5 =	simm.s32 $_tile_overlayer_lowered  }
0x9b: {  	s22 =	simm.s32 $0x1BFF;
	s21 =	sshll.u32 s5, $0x1;
	s2 =	sadd.s32 s19, s18  }
0x9c: {  	s6 =	simm.s32 $0x0;
	s20 =	sshll.u32 s4, $0x1;
	s4 =	sadd.s32 s21, s2  }
0x9d: {  	[timem:s6], [sflag:s22] =	dma.local [hbm:s4], s20  }
0x9e: {  	_ =	swait.ge [sflag:s22], s20  }
0x9f: {  	s3 =	ssub.s32 $0x0, s20;
	[sflag:s22] =	ssyncset.done $0x0  }
0xa0: {  	[sflag:s22] =	ssyncadd.s32 s3;
	_ =	sdelay $0x1  }
0xa1: {  	s23 =	simm.s32 $0x1B8B  }
0xa2: {  	_ =	swait.ge [sflag:s23], $0x1  }
0xa3: {  	[sflag:s23] =	ssyncset.done $0x0  }
0xa4: {  	s25 =	simm.s32 $0x1B8E;
	s24 =	sld [smem:$0x3FFE];
	[sflag:s23] =	ssyncadd.s32 $0xFFFFFFFF  }
0xa5: {  	s26 =	simm.s32 $execute0_lowered;
	[smem:$0x3FD2] =	sst s25  }
0xa6: {  	s4 =	sshll.u32 s26, $0x1;
	_ =	strace $0x80000049;
	[dreg:$0x1] =	wrdreg $0xFFFFFFFF  }
0xa7: {  	s28 =	simm.s32 $_size_execute0_lowered;
	s2 =	sadd.s32 s2, s4;
	[dreg:$0x0] =	wrdreg $0x0  }
0xa8: {  	s4 =	sshll.u32 s28, $0x1;
	[dreg:$0x2] =	wrdreg s2  }
0xa9: {  	[dreg:$0x3] =	wrdreg s4  }
0xaa: {  	[dreg:$0x4] =	wrdreg $0xC0  }
0xab: {  	_ =	task [dreg:s6], $0x5FFFF  }
0xac: {  	[dreg:$0x1] =	wrdreg $0xFFFFFFFF  }
0xad: {  	[dreg:$0x0] =	wrdreg $0x60  }
0xae: {  	[dreg:$0x2] =	wrdreg s24  }
0xaf: {  	[dreg:$0x3] =	wrdreg $0x41000  }
0xb0: {  	[dreg:$0x4] =	wrdreg $0x9  }
0xb1: {  	_ =	task.clear_ibuf [dreg:s6], $0x5FFFF;
	_ =	strace $0x90000049  }
0xb2: {  	s29 =	simm.s32 $0x9;
	_ =	strace $0x8000004B  }
0xb3: {  	_ =	swait.ge [sflag:s29], $0x1  }
0xb4: {  	[sflag:s29] =	ssyncadd.s32 $0xFFFFFFFF  }
0xb5: {  	_ =	strace $0x9000004B  }
0xb6: {  	_ =	sfence  }
0xb7: {  	s30 =	sld [smem:$0x0];
	_ =	sdelay $0x2  }
0xb8: {  	s31 =	sshll.u32 s1, $0xD;
	s1 =	sshrl.u32 s1, $0x2  }
0xb9: {  	s3 =	sand.u32 $0x4000, s31;
	s1 =	sadd.s32 s1, s30  }
0xba: {  	s0 =	sor.u32 s3, s0;
	s1 =	sshll.u32 s1, $0x11  }
0xbb: {  	s0 =	sor.u32 s1, s0  }
0xbc: {  	s0 =	sadd.s32 $0x8F2B, s0  }
0xbd: {  	[sflag:s0] =	ssyncadd.remote.s32 $0x1  }
0xbe: {  	_ =	sfence.sel $0xFFFF  }
0xbf: {  	[dreg:$0x0] =	wrdreg $0xFFFFFFFF;
	(pc) =	sbr.abs _section_cstart, $3  }
0xc0: {  	[dreg:$0x1] =	wrdreg $0xFFFFFFFF  }
0xc1: {  	_ =	task.clear_ibuf [dreg:s6], $0x2FFFF;
	_ =	strace $0x9FFFFFFF  }
0xc2: {  	(tm) =	ssettm $0x7FFFFFFF  }
0xc3: {  	_ =	shalt  }
tec
execute0_lowered:
.L_overlay_start_1:
0x0: {  	(tag) =	ssettag $0x1  }
0x1: {  	s5 =	rddreg [dreg:$0x0]  }
0x2: {  	s2 =	rddreg [dreg:$0x1]  }
0x3: {  	s0 =	rddreg [dreg:$0x2]  }
0x4: {  	s1 =	stileid.u32;
	s4 =	srdreg.scid  }
0x5: {  	s3 =	simm.s32 $0x0;
	s13 =	simm.s32 $0x80;
	s14 =	simm.s32 $0x100  }
0x6: {  	s15 =	simm.s32 $0x1;
	s16 =	simm.s32 $0x0;
	s6 =	smul.u32 $0x9E0, s1  }
0x7: {  	s7 =	smul.u32 $0x2800, s1;
	s8 =	sand.u32 $0x1, s4;
	[smem:$0x7FF] =	sst s3  }
0x8: {  	s4 =	sadd.s32 $0x43200, s5;
	s11 =	smul.u32 $0x50000, s1;
	s31 =	sshll.u32 s1, $0x6  }
0x9: {  	s9 =	smul.u32 $0x28000, s8;
	_ =	strace $0x8000004A;
	s28 =	ssub.s32 $0x2, s8  }
0xa: {  	s8 =	smul.u32 $0x4F0, s8;
	s10 =	sadd.s32 s6, s5;
	s29 =	sshrl.u32 s28, $0x1  }
0xb: {  	s30 =	sshrl.u32 s11, $0x2;
	s6 =	sor.u32 $0x1C02, s31;
	s26 =	sadd.s32 s7, s9  }
0xc: {  	s7 =	sadd.s32 s7, s5;
	s9 =	ssub.s32 s28, s29;
	s11 =	sadd.s32 s30, s2  }
0xd: {  	s10 =	sadd.s32 s8, s10;
	s12 =	sadd.s32 s26, s5;
	s5 =	sadd.s32 $0x1AC00, s7  }
0xe: {  	s8 =	smax.u32 s9, $0x1;
	s9 =	sadd.s32 $0x10E00, s10;
	s10 =	sadd.s32 $0x7000, s10  }
0xf: {  	s11 =	sshrl.u32 s11, $0x3;
	s7 =	sadd.s32 $0xE2000, s12;
	s12 =	simm.s32 $0x2  }
.LBB2_1:
0x10: {  	[spmem:s11], [sflag:s6] =	dma.local [hbm:s5], $0x2800  }
0x11: {  	_ =	swait.ge [sflag:s12], $0x2800  }
0x12: {  	[sflag:s12] =	ssyncset.done $0x0  }
0x13: {  	[sflag:s12] =	ssyncadd.s32 $0xFFFFD800  }
0x14: {  	s17 =	sadd.s32 $0x0, s10;
	[bflag:$0x0] =	sbarrier.arrive $0xFFFF  }
0x15: {  	[tilespmem:s3], [sflag:$0x2] =	stream.linear.gather [hbm4b:s17+s3], $0x80, $0x38;
	[tilespmem:$0x18100] =	vst v63  }
0x16: {  	_ =	swait.ge [sflag:s12], $0x80  }
0x17: {  	[sflag:s12] =	ssyncset.done $0x0  }
0x18: {  	s31 =	sadd.s32 $0x0, s9;
	[sflag:s12] =	ssyncadd.s32 $0xFFFFFF80  }
0x19: {  	[tilespmem:s13], [sflag:$0x2] =	stream.linear.gather [hbm4b:s31+s3], $0x80, $0x38;
	[tilespmem:$0x18100] =	vst v63  }
0x1a: {  	_ =	swait.ge [sflag:s12], $0x80  }
0x1b: {  	[sflag:s12] =	ssyncset.done $0x0  }
0x1c: {  	[sflag:s12] =	ssyncadd.s32 $0xFFFFFF80  }
0x1d: {  	[tilespmem:s14], [sflag:$0x1] =	stream.indirect.gather [hbm4b:s4+s13], $0x80, s3, s13, $0xb8;
	[tilespmem:$0x18100] =	vst v63  }
0x1e: {  	_ =	swait.ge [sflag:s15], $0x4000  }
0x1f: {  	[sflag:s15] =	ssyncset.done $0x0  }
0x20: {  	[sflag:s15] =	ssyncadd.s32 $0xFFFFC000  }
0x21: {  	[spmem:s2] =	stream.indirect.scatter.add.f32 [tilespmem:s14], [sflag:$0x2], $0x80, s13, s13, $0xb8;
	[tilespmem:$0x18100] =	vst v63  }
0x22: {  	_ =	swait.ge [sflag:s12], $0x4000  }
0x23: {  	s18 =	simm.s32 $0x20;
	s17 =	simm.s32 $0x10;
	[sflag:s12] =	ssyncset.done $0x0  }
.LBB2_2:
0x24: {  	s19 =	sadd.s32 s17, s10  }
0x25: {  	[sflag:s12] =	ssyncadd.s32 $0xFFFFC000;
	s20 =	smov.u32 s18;
	s21 =	sadd.s32 $0x10, s18  }
0x26: {  	[tilespmem:s3], [sflag:$0x2] =	stream.linear.gather [hbm4b:s19+s3], $0x80, $0x38;
	[tilespmem:$0x18100] =	vst v63  }
0x27: {  	p0 =	sne.s32 s18, $0x4E0;
	_ =	swait.ge [sflag:s12], $0x80  }
0x28: {  	[sflag:s12] =	ssyncset.done $0x0  }
0x29: {  	s18 =	sadd.s32 s17, s9;
	s17 =	smov.u32 s20;
	[sflag:s12] =	ssyncadd.s32 $0xFFFFFF80  }
0x2a: {  	[tilespmem:s13], [sflag:$0x2] =	stream.linear.gather [hbm4b:s18+s3], $0x80, $0x38;
	[tilespmem:$0x18100] =	vst v63  }
0x2b: {  	_ =	swait.ge [sflag:s12], $0x80  }
0x2c: {  	[sflag:s12] =	ssyncset.done $0x0  }
0x2d: {  	[sflag:s12] =	ssyncadd.s32 $0xFFFFFF80  }
0x2e: {  	[tilespmem:s14], [sflag:$0x1] =	stream.indirect.gather [hbm4b:s4+s13], $0x80, s3, s13, $0xb8;
	[tilespmem:$0x18100] =	vst v63  }
0x2f: {  	_ =	swait.ge [sflag:s15], $0x4000  }
.Ltmp0:
0x30: {  	[sflag:s15] =	ssyncset.done $0x0;
	(pc) =	sbr.rel @p0 .LBB2_2-.Ltmp0, $4  }
0x31: {  	[sflag:s15] =	ssyncadd.s32 $0xFFFFC000  }
0x32: {  	[spmem:s2] =	stream.indirect.scatter.add.f32 [tilespmem:s14], [sflag:$0x2], $0x80, s13, s13, $0xb8;
	[tilespmem:$0x18100] =	vst v63  }
0x33: {  	_ =	swait.ge [sflag:s12], $0x4000  }
0x34: {  	s18 =	smov.u32 s21;
	[sflag:s12] =	ssyncset.done $0x0  }
0x35: {  	s18 =	sadd.s32 s17, s10;
	[sflag:s12] =	ssyncadd.s32 $0xFFFFC000  }
0x36: {  	[tilespmem:s3], [sflag:$0x2] =	stream.linear.gather [hbm4b:s18+s3], $0x80, $0x38;
	[tilespmem:$0x18100] =	vst v63  }
0x37: {  	_ =	swait.ge [sflag:s12], $0x80  }
0x38: {  	[sflag:s12] =	ssyncset.done $0x0  }
0x39: {  	s31 =	sadd.s32 s17, s9;
	[sflag:s12] =	ssyncadd.s32 $0xFFFFFF80  }
0x3a: {  	[tilespmem:s13], [sflag:$0x2] =	stream.linear.gather [hbm4b:s31+s3], $0x80, $0x38;
	[tilespmem:$0x18100] =	vst v63  }
0x3b: {  	_ =	swait.ge [sflag:s12], $0x80  }
0x3c: {  	[sflag:s12] =	ssyncset.done $0x0  }
0x3d: {  	[sflag:s12] =	ssyncadd.s32 $0xFFFFFF80  }
0x3e: {  	[tilespmem:s14], [sflag:$0x1] =	stream.indirect.gather [hbm4b:s4+s13], $0x80, s3, s13, $0xb8;
	[tilespmem:$0x18100] =	vst v63  }
0x3f: {  	_ =	swait.ge [sflag:s15], $0x4000  }
0x40: {  	[sflag:s15] =	ssyncset.done $0x0  }
0x41: {  	[sflag:s15] =	ssyncadd.s32 $0xFFFFC000  }
0x42: {  	[spmem:s2] =	stream.indirect.scatter.add.f32 [tilespmem:s14], [sflag:$0x2], $0x80, s13, s13, $0xb8;
	[tilespmem:$0x18100] =	vst v63  }
0x43: {  	_ =	swait.ge [sflag:s12], $0x4000  }
0x44: {  	s16 =	sadd.s32 $0x1, s16;
	[sflag:s12] =	ssyncset.done $0x0  }
0x45: {  	p0 =	sne.s32 s16, s8;
	[sflag:s12] =	ssyncadd.s32 $0xFFFFC000  }
.Ltmp1:
0x46: {  	[bflag:$0x0] =	sbarrier.arrive $0xFFFF;
	(pc) =	sbr.rel @p0 .LBB2_1-.Ltmp1, $4  }
0x47: {  	[hbm:s7], [sflag:s6] =	dma.local [spmem:s11], $0x2800  }
0x48: {  	_ =	swait.ge [sflag:s12], $0x2800  }
0x49: {  	[sflag:s12] =	ssyncset.done $0x0  }
0x4a: {  	[sflag:s12] =	ssyncadd.s32 $0xFFFFD800  }
0x4b: {  	_ =	sfence.sel $0x180000  }
0x4c: {  	[bflag:$0x0] =	sbarrier.arrive $0xFFFF  }
0x4d: {  	p0 =	sne.s32 s1, $0x0;
	_ =	strace $0x9000004A  }
0x4e: {  	s0 =	sadd.s32 @!p0 $0x100000, s0;
	[bflag:$0x2] =	sbarrier.arrive $0xFFFF  }
0x4f: {  	[sflag:s0] =	ssyncadd.tile.s32 @!p0 $0x1;
	_ =	shalt  }
.Lfunc_end2:
_tile_overlayer_lowered:
.L_overlay_start_2:
0x50: {  	(tag) =	ssettag $0x2  }
0x51: {  	s0 =	rddreg [dreg:$0x0];
	s2 =	stileid.u32  }
0x52: {  	s1 =	rddreg [dreg:$0x1];
	p0 =	sne.s32 s2, $0x0  }
0x53: {  	s3 =	rddreg [dreg:$0x2];
	[bflag:$0x3] =	sbarrier.arrive $0xFFFF;
	s2 =	simm.s32 @!p0 $0x1C02  }
0x54: {  	[timem:s3], [sflag:s2] =	dma.local @!p0 [hbm:s0], s1  }
0x55: {  	s0 =	simm.s32 @!p0 $0x2  }
0x56: {  	_ =	swait.ge @!p0 [sflag:s0], s1  }
0x57: {  	s1 =	ssub.s32 @!p0 $0x0, s1;
	[sflag:s0] =	ssyncset.done @!p0 $0x0  }
0x58: {  	[sflag:s0] =	ssyncadd.s32 @!p0 s1  }
0x59: {  	[bflag:$0x3] =	sbarrier.arrive $0xFFFF  }
0x5a: {  	_ =	shalt  }

// kernel: kernel.15.cloned.1.call-start
scs
__scs_entry_jumppad:
0x0: {  	(pc) =	sbr.rel $0x88, $3  }
0x1: {  	(tag) =	ssettag $0x0;
	lr =	simm.s32 $0x1  }
0x2: {  	[smem:$0x3F84] =	sst lr;
	_ =	strace $0xD0000000  }
0x3: {  	_ = 	snop  }
0x4: {  	_ = 	snop  }
0x5: {  	_ = 	snop  }
0x6: {  	_ = 	snop  }
0x7: {  	_ = 	snop  }
__scs_overlays_trampoline_lowered:
0x8: {  	[smem:$0x3F93] =	sst s0  }
0x9: {  	[smem:$0x3F94] =	sst s1  }
0xa: {  	[smem:$0x3F95] =	sst s2  }
0xb: {  	[smem:$0x3F96] =	sst s3  }
0xc: {  	[smem:$0x3F97] =	sst s4  }
0xd: {  	[smem:$0x3F98] =	sst s5  }
0xe: {  	[smem:$0x3F99] =	sst s6  }
0xf: {  	[smem:$0x3F9A] =	sst s7  }
0x10: {  	[smem:$0x3F9B] =	sst s8  }
0x11: {  	[smem:$0x3F9C] =	sst s9;
	s0 =	simm.s32 @!p0 $0x0  }
0x12: {  	s1 =	sld [smem:$0x3F82];
	s0 =	simm.s32 @p0 $0x1  }
0x13: {  	[smem:$0x3F9D] =	sst s0;
	s0 =	simm.s32 @!p1 $0x0  }
0x14: {  	s2 =	sld [smem:$0x3F81];
	s0 =	simm.s32 @p1 $0x1  }
0x15: {  	[smem:$0x3F9E] =	sst s0;
	s0 =	simm.s32 @!p2 $0x0  }
0x16: {  	s3 =	sld [smem:$0x3FDB];
	s0 =	simm.s32 @p2 $0x1  }
0x17: {  	s4 =	simm.s32 $0x1BF5;
	[smem:$0x3FA0] =	sst s0  }
0x18: {  	s0 =	sld [smem:$0x3F83];
	_ =	swait.ge [sflag:s4], $0x0  }
0x19: {  	s7 =	sld [smem:$0x3F84]  }
0x1a: {  	s8 =	sadd.s32 $0xFFFFE003, lr  }
0x1b: {  	s9 =	sadd.s32 $0xFFFFFEF7, lr;
	s5 =	simm.s32 $0xFFFFFFFF;
	p2 =	slt.u32 s8, $0xFFFFF086  }
0x1c: {  	p1 =	slt.u32 s9, $0xF7A;
	s5 =	simm.s32 @!p2 $0x0  }
0x1d: {  	s5 =	simm.s32 @p1 $0x1;
	p0 =	seq.s32 s7, s2  }
0x1e: {  	s7 =	smul.u32 @!p0 $0xF7A, s2;
	p2 =	seq.s32 @!p0 s5, $0x0  }
0x1f: {  	s9 =	smul.u32 $0xF7A, s1;
	s8 =	simm.s32 @!p0 $0x1BF5;
	p2 =	por !p2, p0  }
0x20: {  	[sflag:s8] =	ssyncset.s32 @!p0 $0xFFFFF086;
	s6 =	sadd.s32 @!p0 s3, s7;
	s7 =	simm.s32 @!p0 $0x108  }
0x21: {  	s3 =	sadd.s32 s3, s9;
	s6 =	sadd.s32 @!p0 $0x88, s6;
	s7 =	simm.s32 @p2 $0x1082  }
0x22: {  	[simem:s7], [sflag:s8] =	dma.local @!p0 [hbm:s6], $0xF7A  }
0x23: {  	s9 =	sor.u32 $0xD0000000, s2;
	s6 =	simm.s32 $0x108;
	_ =	swait.ge @!p0 [sflag:s8], $0x0  }
0x24: {  	s3 =	sadd.s32 $0x88, s3;
	s6 =	simm.s32 @!p1 $0x1082;
	[sflag:s4] =	ssyncset.s32 $0xFFFFF086  }
0x25: {  	[simem:s6], [sflag:s4] =	dma.local [hbm:s3], $0xF7A  }
0x26: {  	[smem:$0x3F84] =	sst s1;
	(tag) =	ssettag s2;
	_ =	strace s9  }
0x27: {  	s1 =	sld [smem:$0x3F94]  }
0x28: {  	s2 =	sld [smem:$0x3F95]  }
0x29: {  	s4 =	sld [smem:$0x3F97]  }
0x2a: {  	p0 =	seq.s32 s5, $0x0;
	s5 =	sld [smem:$0x3F98]  }
0x2b: {  	s6 =	sld [smem:$0x3F99]  }
0x2c: {  	s7 =	sld [smem:$0x3F9A]  }
0x2d: {  	s3 =	simm.s32 $0x108;
	s8 =	sld [smem:$0x3F9B]  }
0x2e: {  	s3 =	simm.s32 @!p0 $0x1082;
	s9 =	sld [smem:$0x3F9C]  }
0x2f: {  	lr =	sadd.s32 s0, s3;
	s0 =	sld [smem:$0x3F93]  }
0x30: {  	s3 =	sld [smem:$0x3F96]  }
0x31: {  	[smem:$0x3F9F] =	sst s10  }
0x32: {  	s10 =	sld [smem:$0x3F9D];
	_ =	sdelay $0x3  }
0x33: {  	p0 =	seq.s32 s10, $0x1;
	s10 =	sld [smem:$0x3F9F];
	_ =	sdelay $0x3  }
0x34: {  	[smem:$0x3F9F] =	sst s10  }
0x35: {  	s10 =	sld [smem:$0x3F9E];
	_ =	sdelay $0x3  }
0x36: {  	p1 =	seq.s32 s10, $0x1;
	s10 =	sld [smem:$0x3F9F];
	_ =	sdelay $0x3  }
0x37: {  	[smem:$0x3F9F] =	sst s10  }
0x38: {  	s10 =	sld [smem:$0x3FA0]  }
0x39: {  	_ = 	snop;
	(pc) =	sbr.ind lr, $3  }
0x3a: {  	_ = 	snop  }
0x3b: {  	_ = 	snop  }
0x3c: {  	p2 =	seq.s32 s10, $0x1;
	s10 =	sld [smem:$0x3F9F]  }
0x3d: {  	_ =	shalt  }
0x3e: {  	_ =	shalt  }
0x3f: {  	_ =	shalt  }
0x40: {  	_ =	shalt  }
0x41: {  	_ =	shalt  }
0x42: {  	_ =	shalt  }
0x43: {  	_ =	shalt  }
0x44: {  	_ =	shalt  }
0x45: {  	_ =	shalt  }
0x46: {  	_ =	shalt  }
0x47: {  	_ =	shalt  }
0x48: {  	_ =	shalt  }
0x49: {  	_ =	shalt  }
0x4a: {  	_ =	shalt  }
0x4b: {  	_ =	shalt  }
0x4c: {  	_ =	shalt  }
0x4d: {  	_ =	shalt  }
0x4e: {  	_ =	shalt  }
0x4f: {  	_ =	shalt  }
0x50: {  	_ =	shalt  }
0x51: {  	_ =	shalt  }
0x52: {  	_ =	shalt  }
0x53: {  	_ =	shalt  }
0x54: {  	_ =	shalt  }
0x55: {  	_ =	shalt  }
0x56: {  	_ =	shalt  }
0x57: {  	_ =	shalt  }
0x58: {  	_ =	shalt  }
0x59: {  	_ =	shalt  }
0x5a: {  	_ =	shalt  }
0x5b: {  	_ =	shalt  }
0x5c: {  	_ =	shalt  }
0x5d: {  	_ =	shalt  }
0x5e: {  	_ =	shalt  }
0x5f: {  	_ =	shalt  }
0x60: {  	_ =	shalt  }
0x61: {  	_ =	shalt  }
0x62: {  	_ =	shalt  }
0x63: {  	_ =	shalt  }
0x64: {  	_ =	shalt  }
0x65: {  	_ =	shalt  }
0x66: {  	_ =	shalt  }
0x67: {  	_ =	shalt  }
0x68: {  	_ =	shalt  }
0x69: {  	_ =	shalt  }
0x6a: {  	_ =	shalt  }
0x6b: {  	_ =	shalt  }
0x6c: {  	_ =	shalt  }
0x6d: {  	_ =	shalt  }
0x6e: {  	_ =	shalt  }
0x6f: {  	_ =	shalt  }
0x70: {  	_ =	shalt  }
0x71: {  	_ =	shalt  }
0x72: {  	_ =	shalt  }
0x73: {  	_ =	shalt  }
0x74: {  	_ =	shalt  }
0x75: {  	_ =	shalt  }
0x76: {  	_ =	shalt  }
0x77: {  	_ =	shalt  }
0x78: {  	_ =	shalt  }
0x79: {  	_ =	shalt  }
0x7a: {  	_ =	shalt  }
0x7b: {  	_ =	shalt  }
0x7c: {  	_ =	shalt  }
0x7d: {  	_ =	shalt  }
0x7e: {  	_ =	shalt  }
0x7f: {  	_ =	shalt  }
0x80: {  	_ =	shalt  }
0x81: {  	_ =	shalt  }
0x82: {  	_ =	shalt  }
0x83: {  	_ =	shalt  }
0x84: {  	_ =	shalt  }
0x85: {  	_ =	shalt  }
0x86: {  	_ =	shalt  }
0x87: {  	_ =	shalt  }
.Lfunc_end0:
.L_simem_size_0:
called_computation.2_lowered:
.L_overlay_start_0:
0x88: {  	s2 =	sld [smem:$0x3FD9]  }
0x89: {  	s3 =	sld [smem:$0x3FFE];
	_ =	sdelay $0x1  }
0x8a: {  	s1 =	srdreg.scid  }
0x8b: {  	s0 =	sand.u32 $0x1, s1  }
0x8c: {  	s16 =	sshll.u32 s0, $0xA;
	s2 =	sadd.s32 s3, s2  }
0x8d: {  	s2 =	sadd.s32 s2, s16  }
0x8e: {  	[smem:$0x3FAB] =	sst s2  }
0x8f: {  	_ = 	snop  }
0x90: {  	(tm) =	ssettm $0x1  }
0x91: {  	s17 =	sld [smem:$0x3FFB];
	_ =	sdelay $0x3  }
0x92: {  	_ =	strace s17  }
0x93: {  	s2 =	sld [smem:$0x3FFC];
	_ =	sdelay $0x3  }
0x94: {  	_ =	strace s2  }
0x95: {  	s2 =	sld [smem:$0x3FFD];
	_ =	sdelay $0x3  }
0x96: {  	_ =	strace s2  }
0x97: {  	_ =	strace $0x8FFFFFFF  }
0x98: {  	s18 =	sld [smem:$0x3FDB];
	_ =	sdelay $0x1  }
0x99: {  	s19 =	simm.s32 $_scs_section_size  }
0x9a: {  	s4 =	simm.s32 $_size__tile_overlayer_lowered;
	s5 =	simm.s32 $_tile_overlayer_lowered  }
0x9b: {  	s22 =	simm.s32 $0x1BFF;
	s21 =	sshll.u32 s5, $0x1;
	s2 =	sadd.s32 s19, s18  }
0x9c: {  	s6 =	simm.s32 $0x0;
	s20 =	sshll.u32 s4, $0x1;
	s4 =	sadd.s32 s21, s2  }
0x9d: {  	[timem:s6], [sflag:s22] =	dma.local [hbm:s4], s20  }
0x9e: {  	_ =	swait.ge [sflag:s22], s20  }
0x9f: {  	s3 =	ssub.s32 $0x0, s20;
	[sflag:s22] =	ssyncset.done $0x0  }
0xa0: {  	[sflag:s22] =	ssyncadd.s32 s3;
	_ =	sdelay $0x1  }
0xa1: {  	s23 =	simm.s32 $0x1B8B  }
0xa2: {  	_ =	swait.ge [sflag:s23], $0x1  }
0xa3: {  	[sflag:s23] =	ssyncset.done $0x0  }
0xa4: {  	s25 =	simm.s32 $0x1B8E;
	s24 =	sld [smem:$0x3FFE];
	[sflag:s23] =	ssyncadd.s32 $0xFFFFFFFF  }
0xa5: {  	s26 =	simm.s32 $execute0_lowered;
	[smem:$0x3FD2] =	sst s25  }
0xa6: {  	s4 =	sshll.u32 s26, $0x1;
	_ =	strace $0x8000004C;
	[dreg:$0x1] =	wrdreg $0xFFFFFFFF  }
0xa7: {  	s28 =	simm.s32 $_size_execute0_lowered;
	s2 =	sadd.s32 s2, s4;
	[dreg:$0x0] =	wrdreg $0x0  }
0xa8: {  	s4 =	sshll.u32 s28, $0x1;
	[dreg:$0x2] =	wrdreg s2  }
0xa9: {  	[dreg:$0x3] =	wrdreg s4  }
0xaa: {  	[dreg:$0x4] =	wrdreg $0xC0  }
0xab: {  	_ =	task [dreg:s6], $0x5FFFF  }
0xac: {  	[dreg:$0x1] =	wrdreg $0xFFFFFFFF  }
0xad: {  	[dreg:$0x0] =	wrdreg $0x60  }
0xae: {  	[dreg:$0x2] =	wrdreg s24  }
0xaf: {  	[dreg:$0x3] =	wrdreg $0x41000  }
0xb0: {  	[dreg:$0x4] =	wrdreg $0x9  }
0xb1: {  	_ =	task.clear_ibuf [dreg:s6], $0x5FFFF;
	_ =	strace $0x9000004C  }
0xb2: {  	s29 =	simm.s32 $0x9;
	_ =	strace $0x8000004E  }
0xb3: {  	_ =	swait.ge [sflag:s29], $0x1  }
0xb4: {  	[sflag:s29] =	ssyncadd.s32 $0xFFFFFFFF  }
0xb5: {  	_ =	strace $0x9000004E  }
0xb6: {  	_ =	sfence  }
0xb7: {  	s30 =	sld [smem:$0x0];
	_ =	sdelay $0x2  }
0xb8: {  	s31 =	sshll.u32 s1, $0xD;
	s1 =	sshrl.u32 s1, $0x2  }
0xb9: {  	s3 =	sand.u32 $0x4000, s31;
	s1 =	sadd.s32 s1, s30  }
0xba: {  	s0 =	sor.u32 s3, s0;
	s1 =	sshll.u32 s1, $0x11  }
0xbb: {  	s0 =	sor.u32 s1, s0  }
0xbc: {  	s0 =	sadd.s32 $0x8F2B, s0  }
0xbd: {  	[sflag:s0] =	ssyncadd.remote.s32 $0x1  }
0xbe: {  	_ =	sfence.sel $0xFFFF  }
0xbf: {  	[dreg:$0x0] =	wrdreg $0xFFFFFFFF;
	(pc) =	sbr.abs _section_cstart, $3  }
0xc0: {  	[dreg:$0x1] =	wrdreg $0xFFFFFFFF  }
0xc1: {  	_ =	task.clear_ibuf [dreg:s6], $0x2FFFF;
	_ =	strace $0x9FFFFFFF  }
0xc2: {  	(tm) =	ssettm $0x7FFFFFFF  }
0xc3: {  	_ =	shalt  }
tec
execute0_lowered:
.L_overlay_start_1:
0x0: {  	(tag) =	ssettag $0x1  }
0x1: {  	s5 =	rddreg [dreg:$0x0]  }
0x2: {  	s2 =	rddreg [dreg:$0x1]  }
0x3: {  	s0 =	rddreg [dreg:$0x2]  }
0x4: {  	s1 =	stileid.u32;
	s4 =	srdreg.scid  }
0x5: {  	s3 =	simm.s32 $0x0;
	s13 =	simm.s32 $0x80;
	s14 =	simm.s32 $0x100  }
0x6: {  	s15 =	simm.s32 $0x1;
	s16 =	simm.s32 $0x0;
	s6 =	smul.u32 $0x9E0, s1  }
0x7: {  	s7 =	smul.u32 $0x2800, s1;
	s8 =	sand.u32 $0x1, s4;
	[smem:$0x7FF] =	sst s3  }
0x8: {  	s4 =	sadd.s32 $0x6A400, s5;
	s11 =	smul.u32 $0x50000, s1;
	s31 =	sshll.u32 s1, $0x6  }
0x9: {  	s9 =	smul.u32 $0x28000, s8;
	_ =	strace $0x8000004D;
	s28 =	ssub.s32 $0x2, s8  }
0xa: {  	s8 =	smul.u32 $0x4F0, s8;
	s10 =	sadd.s32 s6, s5;
	s29 =	sshrl.u32 s28, $0x1  }
0xb: {  	s30 =	sshrl.u32 s11, $0x2;
	s6 =	sor.u32 $0x1C02, s31;
	s26 =	sadd.s32 s7, s9  }
0xc: {  	s7 =	sadd.s32 s7, s5;
	s9 =	ssub.s32 s28, s29;
	s11 =	sadd.s32 s30, s2  }
0xd: {  	s10 =	sadd.s32 s8, s10;
	s12 =	sadd.s32 s26, s5;
	s5 =	sadd.s32 $0x1AC00, s7  }
0xe: {  	s8 =	smax.u32 s9, $0x1;
	s9 =	sadd.s32 $0x10E00, s10;
	s10 =	sadd.s32 $0x7000, s10  }
0xf: {  	s11 =	sshrl.u32 s11, $0x3;
	s7 =	sadd.s32 $0xE2000, s12;
	s12 =	simm.s32 $0x2  }
.LBB2_1:
0x10: {  	[spmem:s11], [sflag:s6] =	dma.local [hbm:s5], $0x2800  }
0x11: {  	_ =	swait.ge [sflag:s12], $0x2800  }
0x12: {  	[sflag:s12] =	ssyncset.done $0x0  }
0x13: {  	[sflag:s12] =	ssyncadd.s32 $0xFFFFD800  }
0x14: {  	s17 =	sadd.s32 $0x0, s10;
	[bflag:$0x0] =	sbarrier.arrive $0xFFFF  }
0x15: {  	[tilespmem:s3], [sflag:$0x2] =	stream.linear.gather [hbm4b:s17+s3], $0x80, $0x38;
	[tilespmem:$0x18100] =	vst v63  }
0x16: {  	_ =	swait.ge [sflag:s12], $0x80  }
0x17: {  	[sflag:s12] =	ssyncset.done $0x0  }
0x18: {  	s31 =	sadd.s32 $0x0, s9;
	[sflag:s12] =	ssyncadd.s32 $0xFFFFFF80  }
0x19: {  	[tilespmem:s13], [sflag:$0x2] =	stream.linear.gather [hbm4b:s31+s3], $0x80, $0x38;
	[tilespmem:$0x18100] =	vst v63  }
0x1a: {  	_ =	swait.ge [sflag:s12], $0x80  }
0x1b: {  	[sflag:s12] =	ssyncset.done $0x0  }
0x1c: {  	[sflag:s12] =	ssyncadd.s32 $0xFFFFFF80  }
0x1d: {  	[tilespmem:s14], [sflag:$0x1] =	stream.indirect.gather [hbm4b:s4+s13], $0x80, s3, s13, $0xb8;
	[tilespmem:$0x18100] =	vst v63  }
0x1e: {  	_ =	swait.ge [sflag:s15], $0x4000  }
0x1f: {  	[sflag:s15] =	ssyncset.done $0x0  }
0x20: {  	[sflag:s15] =	ssyncadd.s32 $0xFFFFC000  }
0x21: {  	[spmem:s2] =	stream.indirect.scatter.add.f32 [tilespmem:s14], [sflag:$0x2], $0x80, s13, s13, $0xb8;
	[tilespmem:$0x18100] =	vst v63  }
0x22: {  	_ =	swait.ge [sflag:s12], $0x4000  }
0x23: {  	s18 =	simm.s32 $0x20;
	s17 =	simm.s32 $0x10;
	[sflag:s12] =	ssyncset.done $0x0  }
.LBB2_2:
0x24: {  	s19 =	sadd.s32 s17, s10  }
0x25: {  	[sflag:s12] =	ssyncadd.s32 $0xFFFFC000;
	s20 =	smov.u32 s18;
	s21 =	sadd.s32 $0x10, s18  }
0x26: {  	[tilespmem:s3], [sflag:$0x2] =	stream.linear.gather [hbm4b:s19+s3], $0x80, $0x38;
	[tilespmem:$0x18100] =	vst v63  }
0x27: {  	p0 =	sne.s32 s18, $0x4E0;
	_ =	swait.ge [sflag:s12], $0x80  }
0x28: {  	[sflag:s12] =	ssyncset.done $0x0  }
0x29: {  	s18 =	sadd.s32 s17, s9;
	s17 =	smov.u32 s20;
	[sflag:s12] =	ssyncadd.s32 $0xFFFFFF80  }
0x2a: {  	[tilespmem:s13], [sflag:$0x2] =	stream.linear.gather [hbm4b:s18+s3], $0x80, $0x38;
	[tilespmem:$0x18100] =	vst v63  }
0x2b: {  	_ =	swait.ge [sflag:s12], $0x80  }
0x2c: {  	[sflag:s12] =	ssyncset.done $0x0  }
0x2d: {  	[sflag:s12] =	ssyncadd.s32 $0xFFFFFF80  }
0x2e: {  	[tilespmem:s14], [sflag:$0x1] =	stream.indirect.gather [hbm4b:s4+s13], $0x80, s3, s13, $0xb8;
	[tilespmem:$0x18100] =	vst v63  }
0x2f: {  	_ =	swait.ge [sflag:s15], $0x4000  }
.Ltmp0:
0x30: {  	[sflag:s15] =	ssyncset.done $0x0;
	(pc) =	sbr.rel @p0 .LBB2_2-.Ltmp0, $4  }
0x31: {  	[sflag:s15] =	ssyncadd.s32 $0xFFFFC000  }
0x32: {  	[spmem:s2] =	stream.indirect.scatter.add.f32 [tilespmem:s14], [sflag:$0x2], $0x80, s13, s13, $0xb8;
	[tilespmem:$0x18100] =	vst v63  }
0x33: {  	_ =	swait.ge [sflag:s12], $0x4000  }
0x34: {  	s18 =	smov.u32 s21;
	[sflag:s12] =	ssyncset.done $0x0  }
0x35: {  	s18 =	sadd.s32 s17, s10;
	[sflag:s12] =	ssyncadd.s32 $0xFFFFC000  }
0x36: {  	[tilespmem:s3], [sflag:$0x2] =	stream.linear.gather [hbm4b:s18+s3], $0x80, $0x38;
	[tilespmem:$0x18100] =	vst v63  }
0x37: {  	_ =	swait.ge [sflag:s12], $0x80  }
0x38: {  	[sflag:s12] =	ssyncset.done $0x0  }
0x39: {  	s31 =	sadd.s32 s17, s9;
	[sflag:s12] =	ssyncadd.s32 $0xFFFFFF80  }
0x3a: {  	[tilespmem:s13], [sflag:$0x2] =	stream.linear.gather [hbm4b:s31+s3], $0x80, $0x38;
	[tilespmem:$0x18100] =	vst v63  }
0x3b: {  	_ =	swait.ge [sflag:s12], $0x80  }
0x3c: {  	[sflag:s12] =	ssyncset.done $0x0  }
0x3d: {  	[sflag:s12] =	ssyncadd.s32 $0xFFFFFF80  }
0x3e: {  	[tilespmem:s14], [sflag:$0x1] =	stream.indirect.gather [hbm4b:s4+s13], $0x80, s3, s13, $0xb8;
	[tilespmem:$0x18100] =	vst v63  }
0x3f: {  	_ =	swait.ge [sflag:s15], $0x4000  }
0x40: {  	[sflag:s15] =	ssyncset.done $0x0  }
0x41: {  	[sflag:s15] =	ssyncadd.s32 $0xFFFFC000  }
0x42: {  	[spmem:s2] =	stream.indirect.scatter.add.f32 [tilespmem:s14], [sflag:$0x2], $0x80, s13, s13, $0xb8;
	[tilespmem:$0x18100] =	vst v63  }
0x43: {  	_ =	swait.ge [sflag:s12], $0x4000  }
0x44: {  	s16 =	sadd.s32 $0x1, s16;
	[sflag:s12] =	ssyncset.done $0x0  }
0x45: {  	p0 =	sne.s32 s16, s8;
	[sflag:s12] =	ssyncadd.s32 $0xFFFFC000  }
.Ltmp1:
0x46: {  	[bflag:$0x0] =	sbarrier.arrive $0xFFFF;
	(pc) =	sbr.rel @p0 .LBB2_1-.Ltmp1, $4  }
0x47: {  	[hbm:s7], [sflag:s6] =	dma.local [spmem:s11], $0x2800  }
0x48: {  	_ =	swait.ge [sflag:s12], $0x2800  }
0x49: {  	[sflag:s12] =	ssyncset.done $0x0  }
0x4a: {  	[sflag:s12] =	ssyncadd.s32 $0xFFFFD800  }
0x4b: {  	_ =	sfence.sel $0x180000  }
0x4c: {  	[bflag:$0x0] =	sbarrier.arrive $0xFFFF  }
0x4d: {  	p0 =	sne.s32 s1, $0x0;
	_ =	strace $0x9000004D  }
0x4e: {  	s0 =	sadd.s32 @!p0 $0x100000, s0;
	[bflag:$0x2] =	sbarrier.arrive $0xFFFF  }
0x4f: {  	[sflag:s0] =	ssyncadd.tile.s32 @!p0 $0x1;
	_ =	shalt  }
.Lfunc_end2:
_tile_overlayer_lowered:
.L_overlay_start_2:
0x50: {  	(tag) =	ssettag $0x2  }
0x51: {  	s0 =	rddreg [dreg:$0x0];
	s2 =	stileid.u32  }
0x52: {  	s1 =	rddreg [dreg:$0x1];
	p0 =	sne.s32 s2, $0x0  }
0x53: {  	s3 =	rddreg [dreg:$0x2];
	[bflag:$0x3] =	sbarrier.arrive $0xFFFF;
	s2 =	simm.s32 @!p0 $0x1C02  }
0x54: {  	[timem:s3], [sflag:s2] =	dma.local @!p0 [hbm:s0], s1  }
0x55: {  	s0 =	simm.s32 @!p0 $0x2  }
0x56: {  	_ =	swait.ge @!p0 [sflag:s0], s1  }
0x57: {  	s1 =	ssub.s32 @!p0 $0x0, s1;
	[sflag:s0] =	ssyncset.done @!p0 $0x0  }
0x58: {  	[sflag:s0] =	ssyncadd.s32 @!p0 s1  }
0x59: {  	[bflag:$0x3] =	sbarrier.arrive $0xFFFF  }
0x5a: {  	_ =	shalt  }

// kernel: kernel.9.cloned.1.call-start
scs
__scs_entry_jumppad:
0x0: {  	(pc) =	sbr.rel $0x88, $3  }
0x1: {  	(tag) =	ssettag $0x0;
	lr =	simm.s32 $0x1  }
0x2: {  	[smem:$0x3F84] =	sst lr;
	_ =	strace $0xD0000000  }
0x3: {  	_ = 	snop  }
0x4: {  	_ = 	snop  }
0x5: {  	_ = 	snop  }
0x6: {  	_ = 	snop  }
0x7: {  	_ = 	snop  }
__scs_overlays_trampoline_lowered:
0x8: {  	[smem:$0x3F93] =	sst s0  }
0x9: {  	[smem:$0x3F94] =	sst s1  }
0xa: {  	[smem:$0x3F95] =	sst s2  }
0xb: {  	[smem:$0x3F96] =	sst s3  }
0xc: {  	[smem:$0x3F97] =	sst s4  }
0xd: {  	[smem:$0x3F98] =	sst s5  }
0xe: {  	[smem:$0x3F99] =	sst s6  }
0xf: {  	[smem:$0x3F9A] =	sst s7  }
0x10: {  	[smem:$0x3F9B] =	sst s8  }
0x11: {  	[smem:$0x3F9C] =	sst s9;
	s0 =	simm.s32 @!p0 $0x0  }
0x12: {  	s1 =	sld [smem:$0x3F82];
	s0 =	simm.s32 @p0 $0x1  }
0x13: {  	[smem:$0x3F9D] =	sst s0;
	s0 =	simm.s32 @!p1 $0x0  }
0x14: {  	s2 =	sld [smem:$0x3F81];
	s0 =	simm.s32 @p1 $0x1  }
0x15: {  	[smem:$0x3F9E] =	sst s0;
	s0 =	simm.s32 @!p2 $0x0  }
0x16: {  	s3 =	sld [smem:$0x3FDB];
	s0 =	simm.s32 @p2 $0x1  }
0x17: {  	s4 =	simm.s32 $0x1BF5;
	[smem:$0x3FA0] =	sst s0  }
0x18: {  	s0 =	sld [smem:$0x3F83];
	_ =	swait.ge [sflag:s4], $0x0  }
0x19: {  	s7 =	sld [smem:$0x3F84]  }
0x1a: {  	s8 =	sadd.s32 $0xFFFFE003, lr  }
0x1b: {  	s9 =	sadd.s32 $0xFFFFFEF7, lr;
	s5 =	simm.s32 $0xFFFFFFFF;
	p2 =	slt.u32 s8, $0xFFFFF086  }
0x1c: {  	p1 =	slt.u32 s9, $0xF7A;
	s5 =	simm.s32 @!p2 $0x0  }
0x1d: {  	s5 =	simm.s32 @p1 $0x1;
	p0 =	seq.s32 s7, s2  }
0x1e: {  	s7 =	smul.u32 @!p0 $0xF7A, s2;
	p2 =	seq.s32 @!p0 s5, $0x0  }
0x1f: {  	s9 =	smul.u32 $0xF7A, s1;
	s8 =	simm.s32 @!p0 $0x1BF5;
	p2 =	por !p2, p0  }
0x20: {  	[sflag:s8] =	ssyncset.s32 @!p0 $0xFFFFF086;
	s6 =	sadd.s32 @!p0 s3, s7;
	s7 =	simm.s32 @!p0 $0x108  }
0x21: {  	s3 =	sadd.s32 s3, s9;
	s6 =	sadd.s32 @!p0 $0x88, s6;
	s7 =	simm.s32 @p2 $0x1082  }
0x22: {  	[simem:s7], [sflag:s8] =	dma.local @!p0 [hbm:s6], $0xF7A  }
0x23: {  	s9 =	sor.u32 $0xD0000000, s2;
	s6 =	simm.s32 $0x108;
	_ =	swait.ge @!p0 [sflag:s8], $0x0  }
0x24: {  	s3 =	sadd.s32 $0x88, s3;
	s6 =	simm.s32 @!p1 $0x1082;
	[sflag:s4] =	ssyncset.s32 $0xFFFFF086  }
0x25: {  	[simem:s6], [sflag:s4] =	dma.local [hbm:s3], $0xF7A  }
0x26: {  	[smem:$0x3F84] =	sst s1;
	(tag) =	ssettag s2;
	_ =	strace s9  }
0x27: {  	s1 =	sld [smem:$0x3F94]  }
0x28: {  	s2 =	sld [smem:$0x3F95]  }
0x29: {  	s4 =	sld [smem:$0x3F97]  }
0x2a: {  	p0 =	seq.s32 s5, $0x0;
	s5 =	sld [smem:$0x3F98]  }
0x2b: {  	s6 =	sld [smem:$0x3F99]  }
0x2c: {  	s7 =	sld [smem:$0x3F9A]  }
0x2d: {  	s3 =	simm.s32 $0x108;
	s8 =	sld [smem:$0x3F9B]  }
0x2e: {  	s3 =	simm.s32 @!p0 $0x1082;
	s9 =	sld [smem:$0x3F9C]  }
0x2f: {  	lr =	sadd.s32 s0, s3;
	s0 =	sld [smem:$0x3F93]  }
0x30: {  	s3 =	sld [smem:$0x3F96]  }
0x31: {  	[smem:$0x3F9F] =	sst s10  }
0x32: {  	s10 =	sld [smem:$0x3F9D];
	_ =	sdelay $0x3  }
0x33: {  	p0 =	seq.s32 s10, $0x1;
	s10 =	sld [smem:$0x3F9F];
	_ =	sdelay $0x3  }
0x34: {  	[smem:$0x3F9F] =	sst s10  }
0x35: {  	s10 =	sld [smem:$0x3F9E];
	_ =	sdelay $0x3  }
0x36: {  	p1 =	seq.s32 s10, $0x1;
	s10 =	sld [smem:$0x3F9F];
	_ =	sdelay $0x3  }
0x37: {  	[smem:$0x3F9F] =	sst s10  }
0x38: {  	s10 =	sld [smem:$0x3FA0]  }
0x39: {  	_ = 	snop;
	(pc) =	sbr.ind lr, $3  }
0x3a: {  	_ = 	snop  }
0x3b: {  	_ = 	snop  }
0x3c: {  	p2 =	seq.s32 s10, $0x1;
	s10 =	sld [smem:$0x3F9F]  }
0x3d: {  	_ =	shalt  }
0x3e: {  	_ =	shalt  }
0x3f: {  	_ =	shalt  }
0x40: {  	_ =	shalt  }
0x41: {  	_ =	shalt  }
0x42: {  	_ =	shalt  }
0x43: {  	_ =	shalt  }
0x44: {  	_ =	shalt  }
0x45: {  	_ =	shalt  }
0x46: {  	_ =	shalt  }
0x47: {  	_ =	shalt  }
0x48: {  	_ =	shalt  }
0x49: {  	_ =	shalt  }
0x4a: {  	_ =	shalt  }
0x4b: {  	_ =	shalt  }
0x4c: {  	_ =	shalt  }
0x4d: {  	_ =	shalt  }
0x4e: {  	_ =	shalt  }
0x4f: {  	_ =	shalt  }
0x50: {  	_ =	shalt  }
0x51: {  	_ =	shalt  }
0x52: {  	_ =	shalt  }
0x53: {  	_ =	shalt  }
0x54: {  	_ =	shalt  }
0x55: {  	_ =	shalt  }
0x56: {  	_ =	shalt  }
0x57: {  	_ =	shalt  }
0x58: {  	_ =	shalt  }
0x59: {  	_ =	shalt  }
0x5a: {  	_ =	shalt  }
0x5b: {  	_ =	shalt  }
0x5c: {  	_ =	shalt  }
0x5d: {  	_ =	shalt  }
0x5e: {  	_ =	shalt  }
0x5f: {  	_ =	shalt  }
0x60: {  	_ =	shalt  }
0x61: {  	_ =	shalt  }
0x62: {  	_ =	shalt  }
0x63: {  	_ =	shalt  }
0x64: {  	_ =	shalt  }
0x65: {  	_ =	shalt  }
0x66: {  	_ =	shalt  }
0x67: {  	_ =	shalt  }
0x68: {  	_ =	shalt  }
0x69: {  	_ =	shalt  }
0x6a: {  	_ =	shalt  }
0x6b: {  	_ =	shalt  }
0x6c: {  	_ =	shalt  }
0x6d: {  	_ =	shalt  }
0x6e: {  	_ =	shalt  }
0x6f: {  	_ =	shalt  }
0x70: {  	_ =	shalt  }
0x71: {  	_ =	shalt  }
0x72: {  	_ =	shalt  }
0x73: {  	_ =	shalt  }
0x74: {  	_ =	shalt  }
0x75: {  	_ =	shalt  }
0x76: {  	_ =	shalt  }
0x77: {  	_ =	shalt  }
0x78: {  	_ =	shalt  }
0x79: {  	_ =	shalt  }
0x7a: {  	_ =	shalt  }
0x7b: {  	_ =	shalt  }
0x7c: {  	_ =	shalt  }
0x7d: {  	_ =	shalt  }
0x7e: {  	_ =	shalt  }
0x7f: {  	_ =	shalt  }
0x80: {  	_ =	shalt  }
0x81: {  	_ =	shalt  }
0x82: {  	_ =	shalt  }
0x83: {  	_ =	shalt  }
0x84: {  	_ =	shalt  }
0x85: {  	_ =	shalt  }
0x86: {  	_ =	shalt  }
0x87: {  	_ =	shalt  }
.Lfunc_end0:
.L_simem_size_0:
called_computation_lowered:
.L_overlay_start_0:
0x88: {  	s2 =	sld [smem:$0x3FD9]  }
0x89: {  	s3 =	sld [smem:$0x3FFE];
	_ =	sdelay $0x1  }
0x8a: {  	s1 =	srdreg.scid  }
0x8b: {  	s0 =	sand.u32 $0x1, s1  }
0x8c: {  	s17 =	sshll.u32 s0, $0xA;
	s2 =	sadd.s32 s3, s2  }
0x8d: {  	s2 =	sadd.s32 s2, s17  }
0x8e: {  	[smem:$0x3FAB] =	sst s2  }
0x8f: {  	_ = 	snop  }
0x90: {  	s2 =	sld [smem:$0x3FC9];
	(tm) =	ssettm $0x1  }
0x91: {  	s18 =	sld [smem:$0x3FFB];
	_ =	sdelay $0x3  }
0x92: {  	_ =	strace s18  }
0x93: {  	s3 =	sld [smem:$0x3FFC];
	_ =	sdelay $0x3  }
0x94: {  	_ =	strace s3  }
0x95: {  	s3 =	sld [smem:$0x3FFD];
	_ =	sdelay $0x3  }
0x96: {  	_ =	strace s3  }
0x97: {  	_ =	strace $0x8FFFFFFF  }
0x98: {  	s19 =	sld [smem:$0x3FDB];
	_ =	sdelay $0x1  }
0x99: {  	s4 =	simm.s32 $_scs_section_size  }
0x9a: {  	s5 =	simm.s32 $_size__tile_overlayer_lowered;
	s6 =	simm.s32 $_tile_overlayer_lowered  }
0x9b: {  	s22 =	simm.s32 $0x1BFF;
	s21 =	sshll.u32 s6, $0x1;
	s3 =	sadd.s32 s4, s19  }
0x9c: {  	s7 =	simm.s32 $0x0;
	s20 =	sshll.u32 s5, $0x1;
	s5 =	sadd.s32 s21, s3  }
0x9d: {  	[timem:s7], [sflag:s22] =	dma.local [hbm:s5], s20  }
0x9e: {  	_ =	swait.ge [sflag:s22], s20  }
0x9f: {  	s4 =	ssub.s32 $0x0, s20;
	[sflag:s22] =	ssyncset.done $0x0  }
0xa0: {  	[sflag:s22] =	ssyncadd.s32 s4;
	_ =	sdelay $0x1  }
0xa1: {  	s23 =	simm.s32 $0x1B8B  }
0xa2: {  	_ =	swait.ge [sflag:s23], $0x1  }
0xa3: {  	[sflag:s23] =	ssyncset.done $0x0  }
0xa4: {  	s25 =	simm.s32 $0x1B8E;
	s24 =	sld [smem:$0x3FFE];
	[sflag:s23] =	ssyncadd.s32 $0xFFFFFFFF  }
0xa5: {  	s26 =	simm.s32 $execute0_lowered;
	[smem:$0x3FD2] =	sst s25  }
0xa6: {  	s5 =	sshll.u32 s26, $0x1;
	_ =	strace $0x80000046;
	[dreg:$0x1] =	wrdreg $0xFFFFFFFF  }
0xa7: {  	s28 =	simm.s32 $_size_execute0_lowered;
	s3 =	sadd.s32 s3, s5;
	[dreg:$0x0] =	wrdreg $0x0  }
0xa8: {  	s5 =	sshll.u32 s28, $0x1;
	[dreg:$0x2] =	wrdreg s3  }
0xa9: {  	[dreg:$0x3] =	wrdreg s5  }
0xaa: {  	[dreg:$0x4] =	wrdreg $0xC0  }
0xab: {  	_ =	task [dreg:s7], $0x5FFFF  }
0xac: {  	[dreg:$0x1] =	wrdreg $0xFFFFFFFF  }
0xad: {  	[dreg:$0x0] =	wrdreg $0x60  }
0xae: {  	[dreg:$0x2] =	wrdreg s2  }
0xaf: {  	[dreg:$0x3] =	wrdreg s24  }
0xb0: {  	[dreg:$0x4] =	wrdreg $0x41000  }
0xb1: {  	[dreg:$0x5] =	wrdreg $0x181800  }
0xb2: {  	[dreg:$0x6] =	wrdreg $0x9  }
0xb3: {  	_ =	task.clear_ibuf [dreg:s7], $0x7FFFF;
	_ =	strace $0x90000046  }
0xb4: {  	s29 =	simm.s32 $0x9;
	_ =	strace $0x80000048  }
0xb5: {  	_ =	swait.ge [sflag:s29], $0x1  }
0xb6: {  	[sflag:s29] =	ssyncadd.s32 $0xFFFFFFFF  }
0xb7: {  	_ =	strace $0x90000048  }
0xb8: {  	_ =	sfence  }
0xb9: {  	s30 =	sld [smem:$0x0];
	_ =	sdelay $0x2  }
0xba: {  	s31 =	sshll.u32 s1, $0xD;
	s1 =	sshrl.u32 s1, $0x2  }
0xbb: {  	s3 =	sand.u32 $0x4000, s31;
	s1 =	sadd.s32 s1, s30  }
0xbc: {  	s0 =	sor.u32 s3, s0;
	s1 =	sshll.u32 s1, $0x11  }
0xbd: {  	s0 =	sor.u32 s1, s0  }
0xbe: {  	s0 =	sadd.s32 $0x8F2B, s0  }
0xbf: {  	[sflag:s0] =	ssyncadd.remote.s32 $0x1  }
0xc0: {  	_ =	sfence.sel $0xFFFF  }
0xc1: {  	[dreg:$0x0] =	wrdreg $0xFFFFFFFF;
	(pc) =	sbr.abs _section_cstart, $3  }
0xc2: {  	[dreg:$0x1] =	wrdreg $0xFFFFFFFF  }
0xc3: {  	_ =	task.clear_ibuf [dreg:s7], $0x2FFFF;
	_ =	strace $0x9FFFFFFF  }
0xc4: {  	(tm) =	ssettm $0x7FFFFFFF  }
0xc5: {  	_ =	shalt  }
tec
execute0_lowered:
.L_overlay_start_1:
0x0: {  	(tag) =	ssettag $0x1  }
0x1: {  	s2 =	rddreg [dreg:$0x0]  }
0x2: {  	s6 =	rddreg [dreg:$0x1]  }
0x3: {  	s3 =	rddreg [dreg:$0x2]  }
0x4: {  	s4 =	rddreg [dreg:$0x3]  }
0x5: {  	s1 =	stileid.u32;
	s0 =	rddreg [dreg:$0x4]  }
0x6: {  	s9 =	srdreg.scid;
	s7 =	smul.u32 $0x9E0, s1  }
0x7: {  	s5 =	simm.s32 $0x0;
	s19 =	simm.s32 $0x1;
	s8 =	smul.u32 $0x2800, s1  }
0x8: {  	s20 =	simm.s32 $0x18100;
	s21 =	simm.s32 $0x0;
	s10 =	smul.u32 $0x280, s1  }
0x9: {  	s9 =	sand.u32 $0x1, s9;
	[smem:$0x7FF] =	sst s5;
	s15 =	smul.u32 $0x50000, s1  }
0xa: {  	s29 =	sshll.u32 s1, $0x6;
	s11 =	smul.u32 $0x2800, s9;
	_ =	strace $0x80000047  }
0xb: {  	s14 =	ssub.s32 $0x2, s9;
	s30 =	smul.u32 $0x4F0, s9;
	s12 =	sadd.s32 s7, s6  }
0xc: {  	s25 =	sshrl.u32 s10, $0x3;
	s8 =	sadd.s32 s8, s6;
	s16 =	sshrl.u32 s14, $0x1  }
0xd: {  	s28 =	sshrl.u32 s15, $0x2;
	s18 =	sadd.s32 s10, s4;
	s13 =	sadd.s32 s25, s6  }
0xe: {  	s26 =	sadd.s32 s10, s11;
	s14 =	ssub.s32 s14, s16;
	s15 =	sadd.s32 s28, s3  }
0xf: {  	s31 =	sadd.s32 s30, s12;
	s16 =	sshrl.u32 s18, $0x3;
	s18 =	simm.s32 $0x100  }
0x10: {  	s11 =	sshll.u32 s26, $0x4;
	s7 =	sshrl.u32 s26, $0x3;
	s12 =	sadd.s32 $0x10E00, s31  }
0x11: {  	s11 =	sadd.s32 s11, s6;
	s17 =	sadd.s32 s7, s6;
	s6 =	sadd.s32 $0x1AC00, s8  }
0x12: {  	s7 =	sor.u32 $0x1C02, s29;
	s8 =	sadd.s32 $0x42C00, s13;
	s13 =	sadd.s32 $0x7000, s31  }
0x13: {  	s9 =	sadd.s32 $0x43C00, s11;
	s10 =	sadd.s32 $0x43200, s17;
	s11 =	smax.u32 s14, $0x1  }
0x14: {  	v0 =	vimm.f32 $1.000000000e+00;
	s14 =	sshrl.u32 s15, $0x3;
	s15 =	simm.s32 $0x2;
	s17 =	simm.s32 $0x80  }
.LBB2_1:
0x15: {  	[spmem:s14], [sflag:s7] =	dma.local [hbm:s6], $0x2800  }
0x16: {  	_ =	swait.ge [sflag:s15], $0x2800  }
0x17: {  	[sflag:s15] =	ssyncset.done $0x0  }
0x18: {  	[sflag:s15] =	ssyncadd.s32 $0xFFFFD800  }
0x19: {  	[spmem:s16], [sflag:s7] =	dma.local [hbm:s8], $0x50  }
0x1a: {  	_ =	swait.ge [sflag:s15], $0x50  }
0x1b: {  	[sflag:s15] =	ssyncset.done $0x0  }
0x1c: {  	[sflag:s15] =	ssyncadd.s32 $0xFFFFFFB0  }
0x1d: {  	[tilespmem:$0x18100] =	vst v0  }
0x1e: {  	[tilespmem:$0x18110] =	vst v0  }
0x1f: {  	[tilespmem:$0x18120] =	vst v0  }
0x20: {  	[tilespmem:$0x18130] =	vst v0  }
0x21: {  	[tilespmem:$0x18140] =	vst v0  }
0x22: {  	[tilespmem:$0x18150] =	vst v0  }
0x23: {  	[tilespmem:$0x18160] =	vst v0  }
0x24: {  	[tilespmem:$0x18170] =	vst v0  }
0x25: {  	s22 =	sadd.s32 $0x0, s13;
	[bflag:$0x0] =	sbarrier.arrive $0xFFFF  }
0x26: {  	[tilespmem:s5], [sflag:$0x2] =	stream.linear.gather [hbm4b:s22+s5], $0x80, $0x38;
	[tilespmem:$0x18400] =	vst v63  }
0x27: {  	_ =	swait.ge [sflag:s15], $0x80  }
0x28: {  	[sflag:s15] =	ssyncset.done $0x0  }
0x29: {  	s31 =	sadd.s32 $0x0, s12;
	[sflag:s15] =	ssyncadd.s32 $0xFFFFFF80  }
0x2a: {  	[tilespmem:s17], [sflag:$0x2] =	stream.linear.gather [hbm4b:s31+s5], $0x80, $0x38;
	[tilespmem:$0x18400] =	vst v63  }
0x2b: {  	_ =	swait.ge [sflag:s15], $0x80  }
0x2c: {  	[sflag:s15] =	ssyncset.done $0x0  }
0x2d: {  	[sflag:s15] =	ssyncadd.s32 $0xFFFFFF80  }
0x2e: {  	[tilespmem:s18], [sflag:$0x1] =	stream.indirect.gather [hbm4b:s2+s17], $0x80, s5, s17, $0xb8;
	[tilespmem:$0x18400] =	vst v63  }
0x2f: {  	_ =	swait.ge [sflag:s19], $0x4000  }
0x30: {  	[sflag:s19] =	ssyncset.done $0x0  }
0x31: {  	[sflag:s19] =	ssyncadd.s32 $0xFFFFC000  }
0x32: {  	[spmem:s3] =	stream.indirect.scatter.add.f32 [tilespmem:s18], [sflag:$0x2], $0x80, s17, s17, $0xb8;
	[tilespmem:$0x18400] =	vst v63  }
0x33: {  	_ =	swait.ge [sflag:s15], $0x4000  }
0x34: {  	[sflag:s15] =	ssyncset.done $0x0  }
0x35: {  	[sflag:s15] =	ssyncadd.s32 $0xFFFFC000  }
0x36: {  	[spmem:s4] =	stream.indirect.scatter.add.f32 [tilespmem:s20], [sflag:$0x2], $0x1, s17, s17, $0xb8;
	[tilespmem:$0x18400] =	vst v63  }
0x37: {  	_ =	swait.ge [sflag:s15], $0x80  }
0x38: {  	s23 =	simm.s32 $0x20;
	s22 =	simm.s32 $0x10;
	[sflag:s15] =	ssyncset.done $0x0  }
.LBB2_2:
0x39: {  	s24 =	sadd.s32 s22, s13  }
0x3a: {  	[sflag:s15] =	ssyncadd.s32 $0xFFFFFF80;
	s25 =	smov.u32 s23;
	s26 =	sadd.s32 $0x10, s23  }
0x3b: {  	[tilespmem:s5], [sflag:$0x2] =	stream.linear.gather [hbm4b:s24+s5], $0x80, $0x38;
	[tilespmem:$0x18400] =	vst v63  }
0x3c: {  	p0 =	sne.s32 s23, $0x4E0;
	_ =	swait.ge [sflag:s15], $0x80  }
0x3d: {  	[sflag:s15] =	ssyncset.done $0x0  }
0x3e: {  	s23 =	sadd.s32 s22, s12;
	s22 =	smov.u32 s25;
	[sflag:s15] =	ssyncadd.s32 $0xFFFFFF80  }
0x3f: {  	[tilespmem:s17], [sflag:$0x2] =	stream.linear.gather [hbm4b:s23+s5], $0x80, $0x38;
	[tilespmem:$0x18400] =	vst v63  }
0x40: {  	_ =	swait.ge [sflag:s15], $0x80  }
0x41: {  	[sflag:s15] =	ssyncset.done $0x0  }
0x42: {  	[sflag:s15] =	ssyncadd.s32 $0xFFFFFF80  }
0x43: {  	[tilespmem:s18], [sflag:$0x1] =	stream.indirect.gather [hbm4b:s2+s17], $0x80, s5, s17, $0xb8;
	[tilespmem:$0x18400] =	vst v63  }
0x44: {  	_ =	swait.ge [sflag:s19], $0x4000  }
0x45: {  	[sflag:s19] =	ssyncset.done $0x0  }
0x46: {  	[sflag:s19] =	ssyncadd.s32 $0xFFFFC000  }
0x47: {  	[spmem:s3] =	stream.indirect.scatter.add.f32 [tilespmem:s18], [sflag:$0x2], $0x80, s17, s17, $0xb8;
	[tilespmem:$0x18400] =	vst v63  }
0x48: {  	_ =	swait.ge [sflag:s15], $0x4000  }
.Ltmp0:
0x49: {  	[sflag:s15] =	ssyncset.done $0x0;
	(pc) =	sbr.rel @p0 .LBB2_2-.Ltmp0, $4  }
0x4a: {  	[sflag:s15] =	ssyncadd.s32 $0xFFFFC000  }
0x4b: {  	[spmem:s4] =	stream.indirect.scatter.add.f32 [tilespmem:s20], [sflag:$0x2], $0x1, s17, s17, $0xb8;
	[tilespmem:$0x18400] =	vst v63  }
0x4c: {  	_ =	swait.ge [sflag:s15], $0x80  }
0x4d: {  	s23 =	smov.u32 s26;
	[sflag:s15] =	ssyncset.done $0x0  }
0x4e: {  	s23 =	sadd.s32 s22, s13;
	[sflag:s15] =	ssyncadd.s32 $0xFFFFFF80  }
0x4f: {  	[tilespmem:s5], [sflag:$0x2] =	stream.linear.gather [hbm4b:s23+s5], $0x80, $0x38;
	[tilespmem:$0x18400] =	vst v63  }
0x50: {  	_ =	swait.ge [sflag:s15], $0x80  }
0x51: {  	[sflag:s15] =	ssyncset.done $0x0  }
0x52: {  	s31 =	sadd.s32 s22, s12;
	[sflag:s15] =	ssyncadd.s32 $0xFFFFFF80  }
0x53: {  	[tilespmem:s17], [sflag:$0x2] =	stream.linear.gather [hbm4b:s31+s5], $0x80, $0x38;
	[tilespmem:$0x18400] =	vst v63  }
0x54: {  	_ =	swait.ge [sflag:s15], $0x80  }
0x55: {  	[sflag:s15] =	ssyncset.done $0x0  }
0x56: {  	[sflag:s15] =	ssyncadd.s32 $0xFFFFFF80  }
0x57: {  	[tilespmem:s18], [sflag:$0x1] =	stream.indirect.gather [hbm4b:s2+s17], $0x80, s5, s17, $0xb8;
	[tilespmem:$0x18400] =	vst v63  }
0x58: {  	_ =	swait.ge [sflag:s19], $0x4000  }
0x59: {  	[sflag:s19] =	ssyncset.done $0x0  }
0x5a: {  	[sflag:s19] =	ssyncadd.s32 $0xFFFFC000  }
0x5b: {  	[spmem:s3] =	stream.indirect.scatter.add.f32 [tilespmem:s18], [sflag:$0x2], $0x80, s17, s17, $0xb8;
	[tilespmem:$0x18400] =	vst v63  }
0x5c: {  	_ =	swait.ge [sflag:s15], $0x4000  }
0x5d: {  	[sflag:s15] =	ssyncset.done $0x0  }
0x5e: {  	[sflag:s15] =	ssyncadd.s32 $0xFFFFC000  }
0x5f: {  	[spmem:s4] =	stream.indirect.scatter.add.f32 [tilespmem:s20], [sflag:$0x2], $0x1, s17, s17, $0xb8;
	[tilespmem:$0x18400] =	vst v63  }
0x60: {  	_ =	swait.ge [sflag:s15], $0x80  }
0x61: {  	[sflag:s15] =	ssyncset.done $0x0  }
0x62: {  	[sflag:s15] =	ssyncadd.s32 $0xFFFFFF80  }
0x63: {  	[bflag:$0x0] =	sbarrier.arrive $0xFFFF  }
0x64: {  	[hbm:s9], [sflag:s7] =	dma.local [spmem:s14], $0x2800  }
0x65: {  	s21 =	sadd.s32 $0x1, s21;
	_ =	swait.ge [sflag:s15], $0x2800  }
0x66: {  	p0 =	sne.s32 s21, s11;
	[sflag:s15] =	ssyncset.done $0x0  }
.Ltmp1:
0x67: {  	[sflag:s15] =	ssyncadd.s32 $0xFFFFD800;
	(pc) =	sbr.rel @p0 .LBB2_1-.Ltmp1, $4  }
0x68: {  	[hbm:s10], [sflag:s7] =	dma.local [spmem:s16], $0x50  }
0x69: {  	_ =	swait.ge [sflag:s15], $0x50  }
0x6a: {  	[sflag:s15] =	ssyncset.done $0x0  }
0x6b: {  	[sflag:s15] =	ssyncadd.s32 $0xFFFFFFB0  }
0x6c: {  	_ =	sfence.sel $0x180000  }
0x6d: {  	[bflag:$0x0] =	sbarrier.arrive $0xFFFF  }
0x6e: {  	p0 =	sne.s32 s1, $0x0;
	_ =	strace $0x90000047  }
0x6f: {  	s0 =	sadd.s32 @!p0 $0x100000, s0;
	[bflag:$0x2] =	sbarrier.arrive $0xFFFF  }
0x70: {  	[sflag:s0] =	ssyncadd.tile.s32 @!p0 $0x1;
	_ =	shalt  }
.Lfunc_end2:
_tile_overlayer_lowered:
.L_overlay_start_2:
0x71: {  	(tag) =	ssettag $0x2  }
0x72: {  	s0 =	rddreg [dreg:$0x0];
	s2 =	stileid.u32  }
0x73: {  	s1 =	rddreg [dreg:$0x1];
	p0 =	sne.s32 s2, $0x0  }
0x74: {  	s3 =	rddreg [dreg:$0x2];
	[bflag:$0x3] =	sbarrier.arrive $0xFFFF;
	s2 =	simm.s32 @!p0 $0x1C02  }
0x75: {  	[timem:s3], [sflag:s2] =	dma.local @!p0 [hbm:s0], s1  }
0x76: {  	s0 =	simm.s32 @!p0 $0x2  }
0x77: {  	_ =	swait.ge @!p0 [sflag:s0], s1  }
0x78: {  	s1 =	ssub.s32 @!p0 $0x0, s1;
	[sflag:s0] =	ssyncset.done @!p0 $0x0  }
0x79: {  	[sflag:s0] =	ssyncadd.s32 @!p0 s1  }
0x7a: {  	[bflag:$0x3] =	sbarrier.arrive $0xFFFF  }
0x7b: {  	_ =	shalt  }

</sc_bundles>
